<compile_context>
chip_gen: v7x
topology: tpu7x:2x2x1
jax: 0.10.2.dev20260603
libtpu: 0.0.44.dev20260713+nightly
codegen_flags: <defaults>
</compile_context>

<pallas_src>
import functools
import math

import jax
import jax.numpy as jnp
from jax import lax
from jax.experimental import pallas as pl
from jax.experimental.pallas import tpu as pltpu
from jax.experimental.pallas import tpu_sc as plsc

D_EMB = 64
LANES = 16
BLK = 128
PAD = 15
SCALE = math.sqrt(D_EMB)


@jax.jit
def _emb_lookup(xt, table):
    n_j, n_i = xt.shape
    info = plsc.get_sparse_core_info()
    nc, ns = info.num_cores, info.num_subcores
    nw = nc * ns
    iw = n_i // nw
    n_blk = iw // BLK
    n_ch = D_EMB // LANES

    mesh = plsc.VectorSubcoreMesh(core_axis_name="c", subcore_axis_name="s")

    @functools.partial(
        pl.kernel,
        mesh=mesh,
        out_type=jax.ShapeDtypeStruct((n_j, D_EMB, n_i), jnp.float32),
        scratch_types=[
            pltpu.VMEM((2, iw), jnp.int32),
            pltpu.VMEM((2, iw, D_EMB), jnp.float32),
            pltpu.VMEM((D_EMB, iw + PAD), jnp.float32),
            pltpu.SemaphoreType.DMA,
            pltpu.SemaphoreType.DMA,
        ],
        compiler_params=pltpu.CompilerParams(
            use_tc_tiling_on_sc=False, needs_layout_passes=False
        ),
    )
    def k(xt_hbm, table_hbm, out_hbm, idx_v, rows_v, trans_v, sem0, sem1):
        wid = lax.axis_index("s") * nc + lax.axis_index("c")
        i0 = wid * iw
        iota = lax.iota(jnp.int32, LANES)
        sems = (sem0, sem1)

        def fire(j, buf, sem):
            pltpu.sync_copy(xt_hbm.at[j, pl.ds(i0, iw)], idx_v.at[buf])
            for b in range(n_blk):
                pltpu.async_copy(
                    table_hbm.at[idx_v.at[buf, pl.ds(b * BLK, BLK)]],
                    rows_v.at[buf, pl.ds(b * BLK, BLK)],
                    sem,
                )

        def drain(buf, sem):
            for b in range(n_blk):
                pltpu.make_async_copy(
                    table_hbm.at[idx_v.at[buf, pl.ds(b * BLK, BLK)]],
                    rows_v.at[buf, pl.ds(b * BLK, BLK)],
                    sem,
                ).wait()

        def process(j, buf):
            @plsc.parallel_loop(0, iw, step=4, unroll=2)
            def transpose_body(r):
                vals = [
                    rows_v[buf, r + rr, pl.ds(c * LANES, LANES)] * SCALE
                    for rr in range(4)
                    for c in range(n_ch)
                ]
                for rr in range(4):
                    col = jnp.full((LANES,), 0, jnp.int32) + (r + rr)
                    for c in range(n_ch):
                        plsc.store_scatter(
                            trans_v,
                            [iota + (c * LANES), col],
                            vals[rr * n_ch + c],
                        )

            pltpu.sync_copy(
                trans_v.at[:, pl.ds(0, iw)], out_hbm.at[j, :, pl.ds(i0, iw)]
            )

        fire(0, 0, sems[0])

        def pair_body(p, carry):
            for par in range(2):
                j = p * 2 + par
                nxt = j + 1

                @pl.when(nxt < n_j)
                def _():
                    fire(nxt, 1 - par, sems[1 - par])

                drain(par, sems[par])
                process(j, par)
            return carry

        lax.fori_loop(0, n_j // 2, pair_body, 0)

    return k(xt, table)


def kernel(x, table):
    out = _emb_lookup(jnp.transpose(x), table)
    return jnp.transpose(out, (2, 0, 1))

# --- scband reference (transcript-rebuilt; emitter-appended) ---
"""Pipeline reference for scband-input-embeddings-22849226015077 (READ-ONLY COPY).

The authoritative reference and input builder live on the scoring server;
editing this copy changes nothing except your own understanding.
"""

import jax, jax.numpy as jnp
import numpy as np
import math

D_EMBED = 64
VOCAB_SIZE = 1000000

def setup_inputs(seed: int = 0) -> dict:
    key = jax.random.key(seed)
    k1, k2 = jax.random.split(key)
    x = jax.random.randint(k1, (16384, 200), 0, VOCAB_SIZE, dtype=jnp.int64 if jax.config.jax_enable_x64 else jnp.int32).astype(jnp.int32)
    table = jax.random.normal(k2, (VOCAB_SIZE, D_EMBED), dtype=jnp.float32)
    return {"x": x, "table": table}

def reference(x, table):
    # InputEmbeddings.forward: embedding lookup scaled by sqrt(d_embed)
    emb = jnp.take(table, x, axis=0)
    return emb * math.sqrt(D_EMBED)

if __name__ == "__main__":
    import jax
    _d = setup_inputs()
    print(jax.jit(kernel)(*tuple(_d.values())))

</pallas_src>

<mosaic_0001>
#map = affine_map<(d0, d1) -> (0, 0)>
#map1 = affine_map<(d0, d1) -> (0, 0, 0)>
module attributes {stable_mosaic.version = 14 : i64} {
  func.func @k(%arg0: i32, %arg1: i32, %arg2: memref<200x16384xi32, #tpu.memory_space<hbm>>, %arg3: memref<1000000x64xf32, #tpu.memory_space<hbm>>, %arg4: memref<200x64x16384xf32, #tpu.memory_space<hbm>>, %arg5: memref<2x512xi32, #tpu.memory_space<vmem>>, %arg6: memref<2x512x64xf32, #tpu.memory_space<vmem>>, %arg7: memref<64x527xf32, #tpu.memory_space<vmem>>, %arg8: memref<!tpu.dma_semaphore, #tpu.memory_space<semaphore_mem>>, %arg9: memref<!tpu.dma_semaphore, #tpu.memory_space<semaphore_mem>>) attributes {dimension_semantics = [#tpu.dimension_semantics<core_parallel>, #tpu.dimension_semantics<subcore_parallel>], iteration_bounds = array<i64: 2, 16>, scalar_prefetch = 0 : i64, scratch_operands = 5 : i64, tpu.core_type = #tpu.core_type<sc_vector_subcore>, window_params = [{transform_indices = #map}, {transform_indices = #map}, {transform_indices = #map1}]} {
    %mul3A = arith.constant 2 : i32
    %mul3A_0 = arith.muli %arg1, %mul3A : i32
    %add3A = arith.addi %mul3A_0, %arg0 : i32
    %mul3A_1 = arith.constant 512 : i32
    %mul3A_2 = arith.muli %add3A, %mul3A_1 : i32
    %iota3A = tpu.iota {dimensions = array<i32: 0>} : vector<16xi32>
    %run_scoped3A = arith.constant 0 : i32
    %run_scoped3A_3 = arith.constant 0 : i32
    "tpu.region"() ({
      %run_scoped3A_56 = tpu.sem_alloc : memref<!tpu.dma_semaphore, #tpu.memory_space<semaphore_mem>>
      %dma_start3A_57 = arith.constant 0 : i32
      %dma_start3A_58 = tpu.memref_slice %arg5[%run_scoped3A_3, %dma_start3A_57] : memref<2x512xi32, #tpu.memory_space<vmem>> -> memref<1x512xi32, #tpu.memory_space<vmem>>
      %dma_start3A_59 = tpu.memref_squeeze %dma_start3A_58 : memref<1x512xi32, #tpu.memory_space<vmem>> -> memref<512xi32, #tpu.memory_space<vmem>>
      %dma_start3A_60 = tpu.memref_slice %arg2[%run_scoped3A, %mul3A_2] : memref<200x16384xi32, #tpu.memory_space<hbm>> -> memref<1x512xi32, #tpu.memory_space<hbm>>
      %dma_start3A_61 = tpu.memref_squeeze %dma_start3A_60 : memref<1x512xi32, #tpu.memory_space<hbm>> -> memref<512xi32, #tpu.memory_space<hbm>>
      %dma_start3A_62 = arith.constant 0 : i32
      %dma_start3A_63 = tpu.memref_slice %arg5[%run_scoped3A_3, %dma_start3A_62] : memref<2x512xi32, #tpu.memory_space<vmem>> -> memref<1x512xi32, #tpu.memory_space<vmem>>
      %dma_start3A_64 = tpu.memref_squeeze %dma_start3A_63 : memref<1x512xi32, #tpu.memory_space<vmem>> -> memref<512xi32, #tpu.memory_space<vmem>>
      %dma_start3A_65 = tpu.memref_slice %arg2[%run_scoped3A, %mul3A_2] : memref<200x16384xi32, #tpu.memory_space<hbm>> -> memref<1x512xi32, #tpu.memory_space<hbm>>
      %dma_start3A_66 = tpu.memref_squeeze %dma_start3A_65 : memref<1x512xi32, #tpu.memory_space<hbm>> -> memref<512xi32, #tpu.memory_space<hbm>>
      tpu.enqueue_dma source(%dma_start3A_66 : memref<512xi32, #tpu.memory_space<hbm>>) target(%dma_start3A_64 : memref<512xi32, #tpu.memory_space<vmem>>) target_semaphore(%run_scoped3A_56 : memref<!tpu.dma_semaphore, #tpu.memory_space<semaphore_mem>>)
      %dma_wait3A = arith.constant 0 : i32
      %dma_wait3A_67 = tpu.memref_slice %arg5[%run_scoped3A_3, %dma_wait3A] : memref<2x512xi32, #tpu.memory_space<vmem>> -> memref<1x512xi32, #tpu.memory_space<vmem>>
      %dma_wait3A_68 = tpu.memref_squeeze %dma_wait3A_67 : memref<1x512xi32, #tpu.memory_space<vmem>> -> memref<512xi32, #tpu.memory_space<vmem>>
      %dma_wait3A_69 = tpu.memref_slice %arg2[%run_scoped3A, %mul3A_2] : memref<200x16384xi32, #tpu.memory_space<hbm>> -> memref<1x512xi32, #tpu.memory_space<hbm>>
      %dma_wait3A_70 = tpu.memref_squeeze %dma_wait3A_69 : memref<1x512xi32, #tpu.memory_space<hbm>> -> memref<512xi32, #tpu.memory_space<hbm>>
      %dma_wait3A_71 = arith.constant 0 : i32
      %dma_wait3A_72 = tpu.memref_slice %arg5[%run_scoped3A_3, %dma_wait3A_71] : memref<2x512xi32, #tpu.memory_space<vmem>> -> memref<1x512xi32, #tpu.memory_space<vmem>>
      %dma_wait3A_73 = tpu.memref_squeeze %dma_wait3A_72 : memref<1x512xi32, #tpu.memory_space<vmem>> -> memref<512xi32, #tpu.memory_space<vmem>>
      %dma_wait3A_74 = tpu.memref_slice %arg2[%run_scoped3A, %mul3A_2] : memref<200x16384xi32, #tpu.memory_space<hbm>> -> memref<1x512xi32, #tpu.memory_space<hbm>>
      %dma_wait3A_75 = tpu.memref_squeeze %dma_wait3A_74 : memref<1x512xi32, #tpu.memory_space<hbm>> -> memref<512xi32, #tpu.memory_space<hbm>>
      tpu.wait_dma2 semaphore(%run_scoped3A_56 : memref<!tpu.dma_semaphore, #tpu.memory_space<semaphore_mem>>) src(%dma_wait3A_75 : memref<512xi32, #tpu.memory_space<hbm>>) dst(%dma_wait3A_73 : memref<512xi32, #tpu.memory_space<vmem>>)
      tpu.yield
    }) : () -> ()
    %dma_start3A = arith.constant 0 : i32
    %dma_start3A_4 = arith.constant 0 : i32
    %dma_start3A_5 = arith.constant 0 : i32
    %dma_start3A_6 = arith.constant 0 : i32
    %dma_start3A_7 = tpu.memref_slice %arg6[%dma_start3A_4, %dma_start3A_5, %dma_start3A_6] : memref<2x512x64xf32, #tpu.memory_space<vmem>> -> memref<1x128x64xf32, #tpu.memory_space<vmem>>
    %dma_start3A_8 = tpu.memref_squeeze %dma_start3A_7 : memref<1x128x64xf32, #tpu.memory_space<vmem>> -> memref<128x64xf32, #tpu.memory_space<vmem>>
    %dma_start3A_9 = arith.constant 0 : i32
    %dma_start3A_10 = tpu.memref_slice %arg5[%dma_start3A, %dma_start3A_9] : memref<2x512xi32, #tpu.memory_space<vmem>> -> memref<1x128xi32, #tpu.memory_space<vmem>>
    %dma_start3A_11 = tpu.memref_squeeze %dma_start3A_10 : memref<1x128xi32, #tpu.memory_space<vmem>> -> memref<128xi32, #tpu.memory_space<vmem>>
    %dma_start3A_12 = arith.constant 0 : i32
    %dma_start3A_13 = arith.constant 0 : i32
    %dma_start3A_14 = tpu.memref_slice %arg3[%dma_start3A_12, %dma_start3A_13] : memref<1000000x64xf32, #tpu.memory_space<hbm>> -> memref<1000000x64xf32, #tpu.memory_space<hbm>>
    tpu.enqueue_indirect_dma source(%dma_start3A_14 : memref<1000000x64xf32, #tpu.memory_space<hbm>>) target(%dma_start3A_8 : memref<128x64xf32, #tpu.memory_space<vmem>>) offsets(%dma_start3A_11 : memref<128xi32, #tpu.memory_space<vmem>>) semaphore(%arg8 : memref<!tpu.dma_semaphore, #tpu.memory_space<semaphore_mem>>)
    %dma_start3A_15 = arith.constant 0 : i32
    %dma_start3A_16 = arith.constant 0 : i32
    %dma_start3A_17 = arith.constant 128 : i32
    %dma_start3A_18 = arith.constant 0 : i32
    %dma_start3A_19 = tpu.memref_slice %arg6[%dma_start3A_16, %dma_start3A_17, %dma_start3A_18] : memref<2x512x64xf32, #tpu.memory_space<vmem>> -> memref<1x128x64xf32, #tpu.memory_space<vmem>>
    %dma_start3A_20 = tpu.memref_squeeze %dma_start3A_19 : memref<1x128x64xf32, #tpu.memory_space<vmem>> -> memref<128x64xf32, #tpu.memory_space<vmem>>
    %dma_start3A_21 = arith.constant 128 : i32
    %dma_start3A_22 = tpu.memref_slice %arg5[%dma_start3A_15, %dma_start3A_21] : memref<2x512xi32, #tpu.memory_space<vmem>> -> memref<1x128xi32, #tpu.memory_space<vmem>>
    %dma_start3A_23 = tpu.memref_squeeze %dma_start3A_22 : memref<1x128xi32, #tpu.memory_space<vmem>> -> memref<128xi32, #tpu.memory_space<vmem>>
    %dma_start3A_24 = arith.constant 0 : i32
    %dma_start3A_25 = arith.constant 0 : i32
    %dma_start3A_26 = tpu.memref_slice %arg3[%dma_start3A_24, %dma_start3A_25] : memref<1000000x64xf32, #tpu.memory_space<hbm>> -> memref<1000000x64xf32, #tpu.memory_space<hbm>>
    tpu.enqueue_indirect_dma source(%dma_start3A_26 : memref<1000000x64xf32, #tpu.memory_space<hbm>>) target(%dma_start3A_20 : memref<128x64xf32, #tpu.memory_space<vmem>>) offsets(%dma_start3A_23 : memref<128xi32, #tpu.memory_space<vmem>>) semaphore(%arg8 : memref<!tpu.dma_semaphore, #tpu.memory_space<semaphore_mem>>)
    %dma_start3A_27 = arith.constant 0 : i32
    %dma_start3A_28 = arith.constant 0 : i32
    %dma_start3A_29 = arith.constant 256 : i32
    %dma_start3A_30 = arith.constant 0 : i32
    %dma_start3A_31 = tpu.memref_slice %arg6[%dma_start3A_28, %dma_start3A_29, %dma_start3A_30] : memref<2x512x64xf32, #tpu.memory_space<vmem>> -> memref<1x128x64xf32, #tpu.memory_space<vmem>>
    %dma_start3A_32 = tpu.memref_squeeze %dma_start3A_31 : memref<1x128x64xf32, #tpu.memory_space<vmem>> -> memref<128x64xf32, #tpu.memory_space<vmem>>
    %dma_start3A_33 = arith.constant 256 : i32
    %dma_start3A_34 = tpu.memref_slice %arg5[%dma_start3A_27, %dma_start3A_33] : memref<2x512xi32, #tpu.memory_space<vmem>> -> memref<1x128xi32, #tpu.memory_space<vmem>>
    %dma_start3A_35 = tpu.memref_squeeze %dma_start3A_34 : memref<1x128xi32, #tpu.memory_space<vmem>> -> memref<128xi32, #tpu.memory_space<vmem>>
    %dma_start3A_36 = arith.constant 0 : i32
    %dma_start3A_37 = arith.constant 0 : i32
    %dma_start3A_38 = tpu.memref_slice %arg3[%dma_start3A_36, %dma_start3A_37] : memref<1000000x64xf32, #tpu.memory_space<hbm>> -> memref<1000000x64xf32, #tpu.memory_space<hbm>>
    tpu.enqueue_indirect_dma source(%dma_start3A_38 : memref<1000000x64xf32, #tpu.memory_space<hbm>>) target(%dma_start3A_32 : memref<128x64xf32, #tpu.memory_space<vmem>>) offsets(%dma_start3A_35 : memref<128xi32, #tpu.memory_space<vmem>>) semaphore(%arg8 : memref<!tpu.dma_semaphore, #tpu.memory_space<semaphore_mem>>)
    %dma_start3A_39 = arith.constant 0 : i32
    %dma_start3A_40 = arith.constant 0 : i32
    %dma_start3A_41 = arith.constant 384 : i32
    %dma_start3A_42 = arith.constant 0 : i32
    %dma_start3A_43 = tpu.memref_slice %arg6[%dma_start3A_40, %dma_start3A_41, %dma_start3A_42] : memref<2x512x64xf32, #tpu.memory_space<vmem>> -> memref<1x128x64xf32, #tpu.memory_space<vmem>>
    %dma_start3A_44 = tpu.memref_squeeze %dma_start3A_43 : memref<1x128x64xf32, #tpu.memory_space<vmem>> -> memref<128x64xf32, #tpu.memory_space<vmem>>
    %dma_start3A_45 = arith.constant 384 : i32
    %dma_start3A_46 = tpu.memref_slice %arg5[%dma_start3A_39, %dma_start3A_45] : memref<2x512xi32, #tpu.memory_space<vmem>> -> memref<1x128xi32, #tpu.memory_space<vmem>>
    %dma_start3A_47 = tpu.memref_squeeze %dma_start3A_46 : memref<1x128xi32, #tpu.memory_space<vmem>> -> memref<128xi32, #tpu.memory_space<vmem>>
    %dma_start3A_48 = arith.constant 0 : i32
    %dma_start3A_49 = arith.constant 0 : i32
    %dma_start3A_50 = tpu.memref_slice %arg3[%dma_start3A_48, %dma_start3A_49] : memref<1000000x64xf32, #tpu.memory_space<hbm>> -> memref<1000000x64xf32, #tpu.memory_space<hbm>>
    tpu.enqueue_indirect_dma source(%dma_start3A_50 : memref<1000000x64xf32, #tpu.memory_space<hbm>>) target(%dma_start3A_44 : memref<128x64xf32, #tpu.memory_space<vmem>>) offsets(%dma_start3A_47 : memref<128xi32, #tpu.memory_space<vmem>>) semaphore(%arg8 : memref<!tpu.dma_semaphore, #tpu.memory_space<semaphore_mem>>)
    %scan3A = arith.constant 0 : i32
    %scan3A_51 = arith.constant 0 : i32
    %scan3A_52 = arith.constant 100 : i32
    %scan3A_53 = arith.addi %scan3A_51, %scan3A_52 : i32
    %scan3A_54 = arith.constant 1 : i32
    scf.for %scan3A_56 = %scan3A_51 to %scan3A_53 step %scan3A_54  : i32 {
      %mul3A_57 = arith.constant 2 : i32
      %mul3A_58 = arith.muli %scan3A_56, %mul3A_57 : i32
      %add3A_59 = arith.constant 0 : i32
      %add3A_60 = arith.addi %mul3A_58, %add3A_59 : i32
      %add3A_61 = arith.constant 1 : i32
      %add3A_62 = arith.addi %add3A_60, %add3A_61 : i32
      %lt3A = arith.constant 200 : i32
      %lt3A_63 = arith.cmpi slt, %add3A_62, %lt3A : i32
      %convert_element_type3A = arith.extui %lt3A_63 : i1 to i32
      %cond3A = arith.constant 0 : i32
      %cond3A_64 = arith.cmpi ne, %convert_element_type3A, %cond3A : i32
      scf.if %cond3A_64 {
        %run_scoped3A_176 = arith.constant 1 : i32
        "tpu.region"() ({
          %run_scoped3A_225 = tpu.sem_alloc : memref<!tpu.dma_semaphore, #tpu.memory_space<semaphore_mem>>
          %dma_start3A_226 = arith.constant 0 : i32
          %dma_start3A_227 = tpu.memref_slice %arg5[%run_scoped3A_176, %dma_start3A_226] : memref<2x512xi32, #tpu.memory_space<vmem>> -> memref<1x512xi32, #tpu.memory_space<vmem>>
          %dma_start3A_228 = tpu.memref_squeeze %dma_start3A_227 : memref<1x512xi32, #tpu.memory_space<vmem>> -> memref<512xi32, #tpu.memory_space<vmem>>
          %dma_start3A_229 = tpu.memref_slice %arg2[%add3A_62, %mul3A_2] : memref<200x16384xi32, #tpu.memory_space<hbm>> -> memref<1x512xi32, #tpu.memory_space<hbm>>
          %dma_start3A_230 = tpu.memref_squeeze %dma_start3A_229 : memref<1x512xi32, #tpu.memory_space<hbm>> -> memref<512xi32, #tpu.memory_space<hbm>>
          %dma_start3A_231 = arith.constant 0 : i32
          %dma_start3A_232 = tpu.memref_slice %arg5[%run_scoped3A_176, %dma_start3A_231] : memref<2x512xi32, #tpu.memory_space<vmem>> -> memref<1x512xi32, #tpu.memory_space<vmem>>
          %dma_start3A_233 = tpu.memref_squeeze %dma_start3A_232 : memref<1x512xi32, #tpu.memory_space<vmem>> -> memref<512xi32, #tpu.memory_space<vmem>>
          %dma_start3A_234 = tpu.memref_slice %arg2[%add3A_62, %mul3A_2] : memref<200x16384xi32, #tpu.memory_space<hbm>> -> memref<1x512xi32, #tpu.memory_space<hbm>>
          %dma_start3A_235 = tpu.memref_squeeze %dma_start3A_234 : memref<1x512xi32, #tpu.memory_space<hbm>> -> memref<512xi32, #tpu.memory_space<hbm>>
          tpu.enqueue_dma source(%dma_start3A_235 : memref<512xi32, #tpu.memory_space<hbm>>) target(%dma_start3A_233 : memref<512xi32, #tpu.memory_space<vmem>>) target_semaphore(%run_scoped3A_225 : memref<!tpu.dma_semaphore, #tpu.memory_space<semaphore_mem>>)
          %dma_wait3A_236 = arith.constant 0 : i32
          %dma_wait3A_237 = tpu.memref_slice %arg5[%run_scoped3A_176, %dma_wait3A_236] : memref<2x512xi32, #tpu.memory_space<vmem>> -> memref<1x512xi32, #tpu.memory_space<vmem>>
          %dma_wait3A_238 = tpu.memref_squeeze %dma_wait3A_237 : memref<1x512xi32, #tpu.memory_space<vmem>> -> memref<512xi32, #tpu.memory_space<vmem>>
          %dma_wait3A_239 = tpu.memref_slice %arg2[%add3A_62, %mul3A_2] : memref<200x16384xi32, #tpu.memory_space<hbm>> -> memref<1x512xi32, #tpu.memory_space<hbm>>
          %dma_wait3A_240 = tpu.memref_squeeze %dma_wait3A_239 : memref<1x512xi32, #tpu.memory_space<hbm>> -> memref<512xi32, #tpu.memory_space<hbm>>
          %dma_wait3A_241 = arith.constant 0 : i32
          %dma_wait3A_242 = tpu.memref_slice %arg5[%run_scoped3A_176, %dma_wait3A_241] : memref<2x512xi32, #tpu.memory_space<vmem>> -> memref<1x512xi32, #tpu.memory_space<vmem>>
          %dma_wait3A_243 = tpu.memref_squeeze %dma_wait3A_242 : memref<1x512xi32, #tpu.memory_space<vmem>> -> memref<512xi32, #tpu.memory_space<vmem>>
          %dma_wait3A_244 = tpu.memref_slice %arg2[%add3A_62, %mul3A_2] : memref<200x16384xi32, #tpu.memory_space<hbm>> -> memref<1x512xi32, #tpu.memory_space<hbm>>
          %dma_wait3A_245 = tpu.memref_squeeze %dma_wait3A_244 : memref<1x512xi32, #tpu.memory_space<hbm>> -> memref<512xi32, #tpu.memory_space<hbm>>
          tpu.wait_dma2 semaphore(%run_scoped3A_225 : memref<!tpu.dma_semaphore, #tpu.memory_space<semaphore_mem>>) src(%dma_wait3A_245 : memref<512xi32, #tpu.memory_space<hbm>>) dst(%dma_wait3A_243 : memref<512xi32, #tpu.memory_space<vmem>>)
          tpu.yield
        }) : () -> ()
        %dma_start3A_177 = arith.constant 1 : i32
        %dma_start3A_178 = arith.constant 1 : i32
        %dma_start3A_179 = arith.constant 0 : i32
        %dma_start3A_180 = arith.constant 0 : i32
        %dma_start3A_181 = tpu.memref_slice %arg6[%dma_start3A_178, %dma_start3A_179, %dma_start3A_180] : memref<2x512x64xf32, #tpu.memory_space<vmem>> -> memref<1x128x64xf32, #tpu.memory_space<vmem>>
        %dma_start3A_182 = tpu.memref_squeeze %dma_start3A_181 : memref<1x128x64xf32, #tpu.memory_space<vmem>> -> memref<128x64xf32, #tpu.memory_space<vmem>>
        %dma_start3A_183 = arith.constant 0 : i32
        %dma_start3A_184 = tpu.memref_slice %arg5[%dma_start3A_177, %dma_start3A_183] : memref<2x512xi32, #tpu.memory_space<vmem>> -> memref<1x128xi32, #tpu.memory_space<vmem>>
        %dma_start3A_185 = tpu.memref_squeeze %dma_start3A_184 : memref<1x128xi32, #tpu.memory_space<vmem>> -> memref<128xi32, #tpu.memory_space<vmem>>
        %dma_start3A_186 = arith.constant 0 : i32
        %dma_start3A_187 = arith.constant 0 : i32
        %dma_start3A_188 = tpu.memref_slice %arg3[%dma_start3A_186, %dma_start3A_187] : memref<1000000x64xf32, #tpu.memory_space<hbm>> -> memref<1000000x64xf32, #tpu.memory_space<hbm>>
        tpu.enqueue_indirect_dma source(%dma_start3A_188 : memref<1000000x64xf32, #tpu.memory_space<hbm>>) target(%dma_start3A_182 : memref<128x64xf32, #tpu.memory_space<vmem>>) offsets(%dma_start3A_185 : memref<128xi32, #tpu.memory_space<vmem>>) semaphore(%arg9 : memref<!tpu.dma_semaphore, #tpu.memory_space<semaphore_mem>>)
        %dma_start3A_189 = arith.constant 1 : i32
        %dma_start3A_190 = arith.constant 1 : i32
        %dma_start3A_191 = arith.constant 128 : i32
        %dma_start3A_192 = arith.constant 0 : i32
        %dma_start3A_193 = tpu.memref_slice %arg6[%dma_start3A_190, %dma_start3A_191, %dma_start3A_192] : memref<2x512x64xf32, #tpu.memory_space<vmem>> -> memref<1x128x64xf32, #tpu.memory_space<vmem>>
        %dma_start3A_194 = tpu.memref_squeeze %dma_start3A_193 : memref<1x128x64xf32, #tpu.memory_space<vmem>> -> memref<128x64xf32, #tpu.memory_space<vmem>>
        %dma_start3A_195 = arith.constant 128 : i32
        %dma_start3A_196 = tpu.memref_slice %arg5[%dma_start3A_189, %dma_start3A_195] : memref<2x512xi32, #tpu.memory_space<vmem>> -> memref<1x128xi32, #tpu.memory_space<vmem>>
        %dma_start3A_197 = tpu.memref_squeeze %dma_start3A_196 : memref<1x128xi32, #tpu.memory_space<vmem>> -> memref<128xi32, #tpu.memory_space<vmem>>
        %dma_start3A_198 = arith.constant 0 : i32
        %dma_start3A_199 = arith.constant 0 : i32
        %dma_start3A_200 = tpu.memref_slice %arg3[%dma_start3A_198, %dma_start3A_199] : memref<1000000x64xf32, #tpu.memory_space<hbm>> -> memref<1000000x64xf32, #tpu.memory_space<hbm>>
        tpu.enqueue_indirect_dma source(%dma_start3A_200 : memref<1000000x64xf32, #tpu.memory_space<hbm>>) target(%dma_start3A_194 : memref<128x64xf32, #tpu.memory_space<vmem>>) offsets(%dma_start3A_197 : memref<128xi32, #tpu.memory_space<vmem>>) semaphore(%arg9 : memref<!tpu.dma_semaphore, #tpu.memory_space<semaphore_mem>>)
        %dma_start3A_201 = arith.constant 1 : i32
        %dma_start3A_202 = arith.constant 1 : i32
        %dma_start3A_203 = arith.constant 256 : i32
        %dma_start3A_204 = arith.constant 0 : i32
        %dma_start3A_205 = tpu.memref_slice %arg6[%dma_start3A_202, %dma_start3A_203, %dma_start3A_204] : memref<2x512x64xf32, #tpu.memory_space<vmem>> -> memref<1x128x64xf32, #tpu.memory_space<vmem>>
        %dma_start3A_206 = tpu.memref_squeeze %dma_start3A_205 : memref<1x128x64xf32, #tpu.memory_space<vmem>> -> memref<128x64xf32, #tpu.memory_space<vmem>>
        %dma_start3A_207 = arith.constant 256 : i32
        %dma_start3A_208 = tpu.memref_slice %arg5[%dma_start3A_201, %dma_start3A_207] : memref<2x512xi32, #tpu.memory_space<vmem>> -> memref<1x128xi32, #tpu.memory_space<vmem>>
        %dma_start3A_209 = tpu.memref_squeeze %dma_start3A_208 : memref<1x128xi32, #tpu.memory_space<vmem>> -> memref<128xi32, #tpu.memory_space<vmem>>
        %dma_start3A_210 = arith.constant 0 : i32
        %dma_start3A_211 = arith.constant 0 : i32
        %dma_start3A_212 = tpu.memref_slice %arg3[%dma_start3A_210, %dma_start3A_211] : memref<1000000x64xf32, #tpu.memory_space<hbm>> -> memref<1000000x64xf32, #tpu.memory_space<hbm>>
        tpu.enqueue_indirect_dma source(%dma_start3A_212 : memref<1000000x64xf32, #tpu.memory_space<hbm>>) target(%dma_start3A_206 : memref<128x64xf32, #tpu.memory_space<vmem>>) offsets(%dma_start3A_209 : memref<128xi32, #tpu.memory_space<vmem>>) semaphore(%arg9 : memref<!tpu.dma_semaphore, #tpu.memory_space<semaphore_mem>>)
        %dma_start3A_213 = arith.constant 1 : i32
        %dma_start3A_214 = arith.constant 1 : i32
        %dma_start3A_215 = arith.constant 384 : i32
        %dma_start3A_216 = arith.constant 0 : i32
        %dma_start3A_217 = tpu.memref_slice %arg6[%dma_start3A_214, %dma_start3A_215, %dma_start3A_216] : memref<2x512x64xf32, #tpu.memory_space<vmem>> -> memref<1x128x64xf32, #tpu.memory_space<vmem>>
        %dma_start3A_218 = tpu.memref_squeeze %dma_start3A_217 : memref<1x128x64xf32, #tpu.memory_space<vmem>> -> memref<128x64xf32, #tpu.memory_space<vmem>>
        %dma_start3A_219 = arith.constant 384 : i32
        %dma_start3A_220 = tpu.memref_slice %arg5[%dma_start3A_213, %dma_start3A_219] : memref<2x512xi32, #tpu.memory_space<vmem>> -> memref<1x128xi32, #tpu.memory_space<vmem>>
        %dma_start3A_221 = tpu.memref_squeeze %dma_start3A_220 : memref<1x128xi32, #tpu.memory_space<vmem>> -> memref<128xi32, #tpu.memory_space<vmem>>
        %dma_start3A_222 = arith.constant 0 : i32
        %dma_start3A_223 = arith.constant 0 : i32
        %dma_start3A_224 = tpu.memref_slice %arg3[%dma_start3A_222, %dma_start3A_223] : memref<1000000x64xf32, #tpu.memory_space<hbm>> -> memref<1000000x64xf32, #tpu.memory_space<hbm>>
        tpu.enqueue_indirect_dma source(%dma_start3A_224 : memref<1000000x64xf32, #tpu.memory_space<hbm>>) target(%dma_start3A_218 : memref<128x64xf32, #tpu.memory_space<vmem>>) offsets(%dma_start3A_221 : memref<128xi32, #tpu.memory_space<vmem>>) semaphore(%arg9 : memref<!tpu.dma_semaphore, #tpu.memory_space<semaphore_mem>>)
      } else {
      }
      %dma_wait3A = arith.constant 0 : i32
      %dma_wait3A_65 = arith.constant 0 : i32
      %dma_wait3A_66 = arith.constant 0 : i32
      %dma_wait3A_67 = arith.constant 0 : i32
      %dma_wait3A_68 = tpu.memref_slice %arg6[%dma_wait3A_65, %dma_wait3A_66, %dma_wait3A_67] : memref<2x512x64xf32, #tpu.memory_space<vmem>> -> memref<1x128x64xf32, #tpu.memory_space<vmem>>
      %dma_wait3A_69 = tpu.memref_squeeze %dma_wait3A_68 : memref<1x128x64xf32, #tpu.memory_space<vmem>> -> memref<128x64xf32, #tpu.memory_space<vmem>>
      %dma_wait3A_70 = arith.constant 0 : i32
      %dma_wait3A_71 = tpu.memref_slice %arg5[%dma_wait3A, %dma_wait3A_70] : memref<2x512xi32, #tpu.memory_space<vmem>> -> memref<1x128xi32, #tpu.memory_space<vmem>>
      %dma_wait3A_72 = tpu.memref_squeeze %dma_wait3A_71 : memref<1x128xi32, #tpu.memory_space<vmem>> -> memref<128xi32, #tpu.memory_space<vmem>>
      %dma_wait3A_73 = arith.constant 0 : i32
      %dma_wait3A_74 = arith.constant 0 : i32
      %dma_wait3A_75 = tpu.memref_slice %arg3[%dma_wait3A_73, %dma_wait3A_74] : memref<1000000x64xf32, #tpu.memory_space<hbm>> -> memref<1000000x64xf32, #tpu.memory_space<hbm>>
      tpu.wait_indirect_dma semaphore(%arg8 : memref<!tpu.dma_semaphore, #tpu.memory_space<semaphore_mem>>) src(%dma_wait3A_75 : memref<1000000x64xf32, #tpu.memory_space<hbm>>) dst(%dma_wait3A_69 : memref<128x64xf32, #tpu.memory_space<vmem>>)
      %dma_wait3A_76 = arith.constant 0 : i32
      %dma_wait3A_77 = arith.constant 0 : i32
      %dma_wait3A_78 = arith.constant 128 : i32
      %dma_wait3A_79 = arith.constant 0 : i32
      %dma_wait3A_80 = tpu.memref_slice %arg6[%dma_wait3A_77, %dma_wait3A_78, %dma_wait3A_79] : memref<2x512x64xf32, #tpu.memory_space<vmem>> -> memref<1x128x64xf32, #tpu.memory_space<vmem>>
      %dma_wait3A_81 = tpu.memref_squeeze %dma_wait3A_80 : memref<1x128x64xf32, #tpu.memory_space<vmem>> -> memref<128x64xf32, #tpu.memory_space<vmem>>
      %dma_wait3A_82 = arith.constant 128 : i32
      %dma_wait3A_83 = tpu.memref_slice %arg5[%dma_wait3A_76, %dma_wait3A_82] : memref<2x512xi32, #tpu.memory_space<vmem>> -> memref<1x128xi32, #tpu.memory_space<vmem>>
      %dma_wait3A_84 = tpu.memref_squeeze %dma_wait3A_83 : memref<1x128xi32, #tpu.memory_space<vmem>> -> memref<128xi32, #tpu.memory_space<vmem>>
      %dma_wait3A_85 = arith.constant 0 : i32
      %dma_wait3A_86 = arith.constant 0 : i32
      %dma_wait3A_87 = tpu.memref_slice %arg3[%dma_wait3A_85, %dma_wait3A_86] : memref<1000000x64xf32, #tpu.memory_space<hbm>> -> memref<1000000x64xf32, #tpu.memory_space<hbm>>
      tpu.wait_indirect_dma semaphore(%arg8 : memref<!tpu.dma_semaphore, #tpu.memory_space<semaphore_mem>>) src(%dma_wait3A_87 : memref<1000000x64xf32, #tpu.memory_space<hbm>>) dst(%dma_wait3A_81 : memref<128x64xf32, #tpu.memory_space<vmem>>)
      %dma_wait3A_88 = arith.constant 0 : i32
      %dma_wait3A_89 = arith.constant 0 : i32
      %dma_wait3A_90 = arith.constant 256 : i32
      %dma_wait3A_91 = arith.constant 0 : i32
      %dma_wait3A_92 = tpu.memref_slice %arg6[%dma_wait3A_89, %dma_wait3A_90, %dma_wait3A_91] : memref<2x512x64xf32, #tpu.memory_space<vmem>> -> memref<1x128x64xf32, #tpu.memory_space<vmem>>
      %dma_wait3A_93 = tpu.memref_squeeze %dma_wait3A_92 : memref<1x128x64xf32, #tpu.memory_space<vmem>> -> memref<128x64xf32, #tpu.memory_space<vmem>>
      %dma_wait3A_94 = arith.constant 256 : i32
      %dma_wait3A_95 = tpu.memref_slice %arg5[%dma_wait3A_88, %dma_wait3A_94] : memref<2x512xi32, #tpu.memory_space<vmem>> -> memref<1x128xi32, #tpu.memory_space<vmem>>
      %dma_wait3A_96 = tpu.memref_squeeze %dma_wait3A_95 : memref<1x128xi32, #tpu.memory_space<vmem>> -> memref<128xi32, #tpu.memory_space<vmem>>
      %dma_wait3A_97 = arith.constant 0 : i32
      %dma_wait3A_98 = arith.constant 0 : i32
      %dma_wait3A_99 = tpu.memref_slice %arg3[%dma_wait3A_97, %dma_wait3A_98] : memref<1000000x64xf32, #tpu.memory_space<hbm>> -> memref<1000000x64xf32, #tpu.memory_space<hbm>>
      tpu.wait_indirect_dma semaphore(%arg8 : memref<!tpu.dma_semaphore, #tpu.memory_space<semaphore_mem>>) src(%dma_wait3A_99 : memref<1000000x64xf32, #tpu.memory_space<hbm>>) dst(%dma_wait3A_93 : memref<128x64xf32, #tpu.memory_space<vmem>>)
      %dma_wait3A_100 = arith.constant 0 : i32
      %dma_wait3A_101 = arith.constant 0 : i32
      %dma_wait3A_102 = arith.constant 384 : i32
      %dma_wait3A_103 = arith.constant 0 : i32
      %dma_wait3A_104 = tpu.memref_slice %arg6[%dma_wait3A_101, %dma_wait3A_102, %dma_wait3A_103] : memref<2x512x64xf32, #tpu.memory_space<vmem>> -> memref<1x128x64xf32, #tpu.memory_space<vmem>>
      %dma_wait3A_105 = tpu.memref_squeeze %dma_wait3A_104 : memref<1x128x64xf32, #tpu.memory_space<vmem>> -> memref<128x64xf32, #tpu.memory_space<vmem>>
      %dma_wait3A_106 = arith.constant 384 : i32
      %dma_wait3A_107 = tpu.memref_slice %arg5[%dma_wait3A_100, %dma_wait3A_106] : memref<2x512xi32, #tpu.memory_space<vmem>> -> memref<1x128xi32, #tpu.memory_space<vmem>>
      %dma_wait3A_108 = tpu.memref_squeeze %dma_wait3A_107 : memref<1x128xi32, #tpu.memory_space<vmem>> -> memref<128xi32, #tpu.memory_space<vmem>>
      %dma_wait3A_109 = arith.constant 0 : i32
      %dma_wait3A_110 = arith.constant 0 : i32
      %dma_wait3A_111 = tpu.memref_slice %arg3[%dma_wait3A_109, %dma_wait3A_110] : memref<1000000x64xf32, #tpu.memory_space<hbm>> -> memref<1000000x64xf32, #tpu.memory_space<hbm>>
      tpu.wait_indirect_dma semaphore(%arg8 : memref<!tpu.dma_semaphore, #tpu.memory_space<semaphore_mem>>) src(%dma_wait3A_111 : memref<1000000x64xf32, #tpu.memory_space<hbm>>) dst(%dma_wait3A_105 : memref<128x64xf32, #tpu.memory_space<vmem>>)
      %parallel_loop3A = arith.constant 0 : i32
      %parallel_loop3A_112 = arith.constant 512 : i32
      %parallel_loop3A_113 = arith.constant 4 : i32
      scf.for %parallel_loop3A_176 = %parallel_loop3A to %parallel_loop3A_112 step %parallel_loop3A_113  : i32 {
        %parallel_loop3A_177 = arith.constant 0 : i32
        %parallel_loop3A_178 = arith.addi %parallel_loop3A_176, %parallel_loop3A_177 : i32
        %parallel_loop3A_179 = arith.constant 0 : i32
        %parallel_loop3A_180 = arith.index_cast %parallel_loop3A_179 : i32 to index
        %parallel_loop3A_181 = arith.index_cast %parallel_loop3A_178 : i32 to index
        %parallel_loop3A_182 = arith.constant 0 : index
        %parallel_loop3A_183 = tpu.vector_load %arg6[%parallel_loop3A_180, %parallel_loop3A_181, %parallel_loop3A_182] {strides = array<i32>} : memref<2x512x64xf32, #tpu.memory_space<vmem>>, vector<16xf32>,
        %parallel_loop3A_184 = arith.constant 8.000000e+00 : f32
        %parallel_loop3A_185 = vector.broadcast %parallel_loop3A_184 : f32 to vector<16xf32>
        %parallel_loop3A_186 = arith.mulf %parallel_loop3A_183, %parallel_loop3A_185 : vector<16xf32>
        %parallel_loop3A_187 = arith.constant 0 : i32
        %parallel_loop3A_188 = arith.addi %parallel_loop3A_176, %parallel_loop3A_187 : i32
        %parallel_loop3A_189 = arith.constant 0 : i32
        %parallel_loop3A_190 = arith.index_cast %parallel_loop3A_189 : i32 to index
        %parallel_loop3A_191 = arith.index_cast %parallel_loop3A_188 : i32 to index
        %parallel_loop3A_192 = arith.constant 16 : index
        %parallel_loop3A_193 = tpu.vector_load %arg6[%parallel_loop3A_190, %parallel_loop3A_191, %parallel_loop3A_192] {strides = array<i32>} : memref<2x512x64xf32, #tpu.memory_space<vmem>>, vector<16xf32>,
        %parallel_loop3A_194 = arith.constant 8.000000e+00 : f32
        %parallel_loop3A_195 = vector.broadcast %parallel_loop3A_194 : f32 to vector<16xf32>
        %parallel_loop3A_196 = arith.mulf %parallel_loop3A_193, %parallel_loop3A_195 : vector<16xf32>
        %parallel_loop3A_197 = arith.constant 0 : i32
        %parallel_loop3A_198 = arith.addi %parallel_loop3A_176, %parallel_loop3A_197 : i32
        %parallel_loop3A_199 = arith.constant 0 : i32
        %parallel_loop3A_200 = arith.index_cast %parallel_loop3A_199 : i32 to index
        %parallel_loop3A_201 = arith.index_cast %parallel_loop3A_198 : i32 to index
        %parallel_loop3A_202 = arith.constant 32 : index
        %parallel_loop3A_203 = tpu.vector_load %arg6[%parallel_loop3A_200, %parallel_loop3A_201, %parallel_loop3A_202] {strides = array<i32>} : memref<2x512x64xf32, #tpu.memory_space<vmem>>, vector<16xf32>,
        %parallel_loop3A_204 = arith.constant 8.000000e+00 : f32
        %parallel_loop3A_205 = vector.broadcast %parallel_loop3A_204 : f32 to vector<16xf32>
        %parallel_loop3A_206 = arith.mulf %parallel_loop3A_203, %parallel_loop3A_205 : vector<16xf32>
        %parallel_loop3A_207 = arith.constant 0 : i32
        %parallel_loop3A_208 = arith.addi %parallel_loop3A_176, %parallel_loop3A_207 : i32
        %parallel_loop3A_209 = arith.constant 0 : i32
        %parallel_loop3A_210 = arith.index_cast %parallel_loop3A_209 : i32 to index
        %parallel_loop3A_211 = arith.index_cast %parallel_loop3A_208 : i32 to index
        %parallel_loop3A_212 = arith.constant 48 : index
        %parallel_loop3A_213 = tpu.vector_load %arg6[%parallel_loop3A_210, %parallel_loop3A_211, %parallel_loop3A_212] {strides = array<i32>} : memref<2x512x64xf32, #tpu.memory_space<vmem>>, vector<16xf32>,
        %parallel_loop3A_214 = arith.constant 8.000000e+00 : f32
        %parallel_loop3A_215 = vector.broadcast %parallel_loop3A_214 : f32 to vector<16xf32>
        %parallel_loop3A_216 = arith.mulf %parallel_loop3A_213, %parallel_loop3A_215 : vector<16xf32>
        %parallel_loop3A_217 = arith.constant 1 : i32
        %parallel_loop3A_218 = arith.addi %parallel_loop3A_176, %parallel_loop3A_217 : i32
        %parallel_loop3A_219 = arith.constant 0 : i32
        %parallel_loop3A_220 = arith.index_cast %parallel_loop3A_219 : i32 to index
        %parallel_loop3A_221 = arith.index_cast %parallel_loop3A_218 : i32 to index
        %parallel_loop3A_222 = arith.constant 0 : index
        %parallel_loop3A_223 = tpu.vector_load %arg6[%parallel_loop3A_220, %parallel_loop3A_221, %parallel_loop3A_222] {strides = array<i32>} : memref<2x512x64xf32, #tpu.memory_space<vmem>>, vector<16xf32>,
        %parallel_loop3A_224 = arith.constant 8.000000e+00 : f32
        %parallel_loop3A_225 = vector.broadcast %parallel_loop3A_224 : f32 to vector<16xf32>
        %parallel_loop3A_226 = arith.mulf %parallel_loop3A_223, %parallel_loop3A_225 : vector<16xf32>
        %parallel_loop3A_227 = arith.constant 1 : i32
        %parallel_loop3A_228 = arith.addi %parallel_loop3A_176, %parallel_loop3A_227 : i32
        %parallel_loop3A_229 = arith.constant 0 : i32
        %parallel_loop3A_230 = arith.index_cast %parallel_loop3A_229 : i32 to index
        %parallel_loop3A_231 = arith.index_cast %parallel_loop3A_228 : i32 to index
        %parallel_loop3A_232 = arith.constant 16 : index
        %parallel_loop3A_233 = tpu.vector_load %arg6[%parallel_loop3A_230, %parallel_loop3A_231, %parallel_loop3A_232] {strides = array<i32>} : memref<2x512x64xf32, #tpu.memory_space<vmem>>, vector<16xf32>,
        %parallel_loop3A_234 = arith.constant 8.000000e+00 : f32
        %parallel_loop3A_235 = vector.broadcast %parallel_loop3A_234 : f32 to vector<16xf32>
        %parallel_loop3A_236 = arith.mulf %parallel_loop3A_233, %parallel_loop3A_235 : vector<16xf32>
        %parallel_loop3A_237 = arith.constant 1 : i32
        %parallel_loop3A_238 = arith.addi %parallel_loop3A_176, %parallel_loop3A_237 : i32
        %parallel_loop3A_239 = arith.constant 0 : i32
        %parallel_loop3A_240 = arith.index_cast %parallel_loop3A_239 : i32 to index
        %parallel_loop3A_241 = arith.index_cast %parallel_loop3A_238 : i32 to index
        %parallel_loop3A_242 = arith.constant 32 : index
        %parallel_loop3A_243 = tpu.vector_load %arg6[%parallel_loop3A_240, %parallel_loop3A_241, %parallel_loop3A_242] {strides = array<i32>} : memref<2x512x64xf32, #tpu.memory_space<vmem>>, vector<16xf32>,
        %parallel_loop3A_244 = arith.constant 8.000000e+00 : f32
        %parallel_loop3A_245 = vector.broadcast %parallel_loop3A_244 : f32 to vector<16xf32>
        %parallel_loop3A_246 = arith.mulf %parallel_loop3A_243, %parallel_loop3A_245 : vector<16xf32>
        %parallel_loop3A_247 = arith.constant 1 : i32
        %parallel_loop3A_248 = arith.addi %parallel_loop3A_176, %parallel_loop3A_247 : i32
        %parallel_loop3A_249 = arith.constant 0 : i32
        %parallel_loop3A_250 = arith.index_cast %parallel_loop3A_249 : i32 to index
        %parallel_loop3A_251 = arith.index_cast %parallel_loop3A_248 : i32 to index
        %parallel_loop3A_252 = arith.constant 48 : index
        %parallel_loop3A_253 = tpu.vector_load %arg6[%parallel_loop3A_250, %parallel_loop3A_251, %parallel_loop3A_252] {strides = array<i32>} : memref<2x512x64xf32, #tpu.memory_space<vmem>>, vector<16xf32>,
        %parallel_loop3A_254 = arith.constant 8.000000e+00 : f32
        %parallel_loop3A_255 = vector.broadcast %parallel_loop3A_254 : f32 to vector<16xf32>
        %parallel_loop3A_256 = arith.mulf %parallel_loop3A_253, %parallel_loop3A_255 : vector<16xf32>
        %parallel_loop3A_257 = arith.constant 2 : i32
        %parallel_loop3A_258 = arith.addi %parallel_loop3A_176, %parallel_loop3A_257 : i32
        %parallel_loop3A_259 = arith.constant 0 : i32
        %parallel_loop3A_260 = arith.index_cast %parallel_loop3A_259 : i32 to index
        %parallel_loop3A_261 = arith.index_cast %parallel_loop3A_258 : i32 to index
        %parallel_loop3A_262 = arith.constant 0 : index
        %parallel_loop3A_263 = tpu.vector_load %arg6[%parallel_loop3A_260, %parallel_loop3A_261, %parallel_loop3A_262] {strides = array<i32>} : memref<2x512x64xf32, #tpu.memory_space<vmem>>, vector<16xf32>,
        %parallel_loop3A_264 = arith.constant 8.000000e+00 : f32
        %parallel_loop3A_265 = vector.broadcast %parallel_loop3A_264 : f32 to vector<16xf32>
        %parallel_loop3A_266 = arith.mulf %parallel_loop3A_263, %parallel_loop3A_265 : vector<16xf32>
        %parallel_loop3A_267 = arith.constant 2 : i32
        %parallel_loop3A_268 = arith.addi %parallel_loop3A_176, %parallel_loop3A_267 : i32
        %parallel_loop3A_269 = arith.constant 0 : i32
        %parallel_loop3A_270 = arith.index_cast %parallel_loop3A_269 : i32 to index
        %parallel_loop3A_271 = arith.index_cast %parallel_loop3A_268 : i32 to index
        %parallel_loop3A_272 = arith.constant 16 : index
        %parallel_loop3A_273 = tpu.vector_load %arg6[%parallel_loop3A_270, %parallel_loop3A_271, %parallel_loop3A_272] {strides = array<i32>} : memref<2x512x64xf32, #tpu.memory_space<vmem>>, vector<16xf32>,
        %parallel_loop3A_274 = arith.constant 8.000000e+00 : f32
        %parallel_loop3A_275 = vector.broadcast %parallel_loop3A_274 : f32 to vector<16xf32>
        %parallel_loop3A_276 = arith.mulf %parallel_loop3A_273, %parallel_loop3A_275 : vector<16xf32>
        %parallel_loop3A_277 = arith.constant 2 : i32
        %parallel_loop3A_278 = arith.addi %parallel_loop3A_176, %parallel_loop3A_277 : i32
        %parallel_loop3A_279 = arith.constant 0 : i32
        %parallel_loop3A_280 = arith.index_cast %parallel_loop3A_279 : i32 to index
        %parallel_loop3A_281 = arith.index_cast %parallel_loop3A_278 : i32 to index
        %parallel_loop3A_282 = arith.constant 32 : index
        %parallel_loop3A_283 = tpu.vector_load %arg6[%parallel_loop3A_280, %parallel_loop3A_281, %parallel_loop3A_282] {strides = array<i32>} : memref<2x512x64xf32, #tpu.memory_space<vmem>>, vector<16xf32>,
        %parallel_loop3A_284 = arith.constant 8.000000e+00 : f32
        %parallel_loop3A_285 = vector.broadcast %parallel_loop3A_284 : f32 to vector<16xf32>
        %parallel_loop3A_286 = arith.mulf %parallel_loop3A_283, %parallel_loop3A_285 : vector<16xf32>
        %parallel_loop3A_287 = arith.constant 2 : i32
        %parallel_loop3A_288 = arith.addi %parallel_loop3A_176, %parallel_loop3A_287 : i32
        %parallel_loop3A_289 = arith.constant 0 : i32
        %parallel_loop3A_290 = arith.index_cast %parallel_loop3A_289 : i32 to index
        %parallel_loop3A_291 = arith.index_cast %parallel_loop3A_288 : i32 to index
        %parallel_loop3A_292 = arith.constant 48 : index
        %parallel_loop3A_293 = tpu.vector_load %arg6[%parallel_loop3A_290, %parallel_loop3A_291, %parallel_loop3A_292] {strides = array<i32>} : memref<2x512x64xf32, #tpu.memory_space<vmem>>, vector<16xf32>,
        %parallel_loop3A_294 = arith.constant 8.000000e+00 : f32
        %parallel_loop3A_295 = vector.broadcast %parallel_loop3A_294 : f32 to vector<16xf32>
        %parallel_loop3A_296 = arith.mulf %parallel_loop3A_293, %parallel_loop3A_295 : vector<16xf32>
        %parallel_loop3A_297 = arith.constant 3 : i32
        %parallel_loop3A_298 = arith.addi %parallel_loop3A_176, %parallel_loop3A_297 : i32
        %parallel_loop3A_299 = arith.constant 0 : i32
        %parallel_loop3A_300 = arith.index_cast %parallel_loop3A_299 : i32 to index
        %parallel_loop3A_301 = arith.index_cast %parallel_loop3A_298 : i32 to index
        %parallel_loop3A_302 = arith.constant 0 : index
        %parallel_loop3A_303 = tpu.vector_load %arg6[%parallel_loop3A_300, %parallel_loop3A_301, %parallel_loop3A_302] {strides = array<i32>} : memref<2x512x64xf32, #tpu.memory_space<vmem>>, vector<16xf32>,
        %parallel_loop3A_304 = arith.constant 8.000000e+00 : f32
        %parallel_loop3A_305 = vector.broadcast %parallel_loop3A_304 : f32 to vector<16xf32>
        %parallel_loop3A_306 = arith.mulf %parallel_loop3A_303, %parallel_loop3A_305 : vector<16xf32>
        %parallel_loop3A_307 = arith.constant 3 : i32
        %parallel_loop3A_308 = arith.addi %parallel_loop3A_176, %parallel_loop3A_307 : i32
        %parallel_loop3A_309 = arith.constant 0 : i32
        %parallel_loop3A_310 = arith.index_cast %parallel_loop3A_309 : i32 to index
        %parallel_loop3A_311 = arith.index_cast %parallel_loop3A_308 : i32 to index
        %parallel_loop3A_312 = arith.constant 16 : index
        %parallel_loop3A_313 = tpu.vector_load %arg6[%parallel_loop3A_310, %parallel_loop3A_311, %parallel_loop3A_312] {strides = array<i32>} : memref<2x512x64xf32, #tpu.memory_space<vmem>>, vector<16xf32>,
        %parallel_loop3A_314 = arith.constant 8.000000e+00 : f32
        %parallel_loop3A_315 = vector.broadcast %parallel_loop3A_314 : f32 to vector<16xf32>
        %parallel_loop3A_316 = arith.mulf %parallel_loop3A_313, %parallel_loop3A_315 : vector<16xf32>
        %parallel_loop3A_317 = arith.constant 3 : i32
        %parallel_loop3A_318 = arith.addi %parallel_loop3A_176, %parallel_loop3A_317 : i32
        %parallel_loop3A_319 = arith.constant 0 : i32
        %parallel_loop3A_320 = arith.index_cast %parallel_loop3A_319 : i32 to index
        %parallel_loop3A_321 = arith.index_cast %parallel_loop3A_318 : i32 to index
        %parallel_loop3A_322 = arith.constant 32 : index
        %parallel_loop3A_323 = tpu.vector_load %arg6[%parallel_loop3A_320, %parallel_loop3A_321, %parallel_loop3A_322] {strides = array<i32>} : memref<2x512x64xf32, #tpu.memory_space<vmem>>, vector<16xf32>,
        %parallel_loop3A_324 = arith.constant 8.000000e+00 : f32
        %parallel_loop3A_325 = vector.broadcast %parallel_loop3A_324 : f32 to vector<16xf32>
        %parallel_loop3A_326 = arith.mulf %parallel_loop3A_323, %parallel_loop3A_325 : vector<16xf32>
        %parallel_loop3A_327 = arith.constant 3 : i32
        %parallel_loop3A_328 = arith.addi %parallel_loop3A_176, %parallel_loop3A_327 : i32
        %parallel_loop3A_329 = arith.constant 0 : i32
        %parallel_loop3A_330 = arith.index_cast %parallel_loop3A_329 : i32 to index
        %parallel_loop3A_331 = arith.index_cast %parallel_loop3A_328 : i32 to index
        %parallel_loop3A_332 = arith.constant 48 : index
        %parallel_loop3A_333 = tpu.vector_load %arg6[%parallel_loop3A_330, %parallel_loop3A_331, %parallel_loop3A_332] {strides = array<i32>} : memref<2x512x64xf32, #tpu.memory_space<vmem>>, vector<16xf32>,
        %parallel_loop3A_334 = arith.constant 8.000000e+00 : f32
        %parallel_loop3A_335 = vector.broadcast %parallel_loop3A_334 : f32 to vector<16xf32>
        %parallel_loop3A_336 = arith.mulf %parallel_loop3A_333, %parallel_loop3A_335 : vector<16xf32>
        %parallel_loop3A_337 = arith.constant 0 : i32
        %parallel_loop3A_338 = vector.broadcast %parallel_loop3A_337 : i32 to vector<16xi32>
        %parallel_loop3A_339 = arith.constant 0 : i32
        %parallel_loop3A_340 = arith.addi %parallel_loop3A_176, %parallel_loop3A_339 : i32
        %parallel_loop3A_341 = vector.broadcast %parallel_loop3A_340 : i32 to vector<16xi32>
        %parallel_loop3A_342 = arith.addi %parallel_loop3A_338, %parallel_loop3A_341 : vector<16xi32>
        %parallel_loop3A_343 = arith.constant 0 : i32
        %parallel_loop3A_344 = vector.broadcast %parallel_loop3A_343 : i32 to vector<16xi32>
        %parallel_loop3A_345 = arith.addi %iota3A, %parallel_loop3A_344 : vector<16xi32>
        tpu.vector_store_idx %arg7[%parallel_loop3A_345, %parallel_loop3A_342], %parallel_loop3A_186 : memref<64x527xf32, #tpu.memory_space<vmem>>[vector<16xi32>, vector<16xi32>], vector<16xf32>,
        %parallel_loop3A_346 = arith.constant 16 : i32
        %parallel_loop3A_347 = vector.broadcast %parallel_loop3A_346 : i32 to vector<16xi32>
        %parallel_loop3A_348 = arith.addi %iota3A, %parallel_loop3A_347 : vector<16xi32>
        tpu.vector_store_idx %arg7[%parallel_loop3A_348, %parallel_loop3A_342], %parallel_loop3A_196 : memref<64x527xf32, #tpu.memory_space<vmem>>[vector<16xi32>, vector<16xi32>], vector<16xf32>,
        %parallel_loop3A_349 = arith.constant 32 : i32
        %parallel_loop3A_350 = vector.broadcast %parallel_loop3A_349 : i32 to vector<16xi32>
        %parallel_loop3A_351 = arith.addi %iota3A, %parallel_loop3A_350 : vector<16xi32>
        tpu.vector_store_idx %arg7[%parallel_loop3A_351, %parallel_loop3A_342], %parallel_loop3A_206 : memref<64x527xf32, #tpu.memory_space<vmem>>[vector<16xi32>, vector<16xi32>], vector<16xf32>,
        %parallel_loop3A_352 = arith.constant 48 : i32
        %parallel_loop3A_353 = vector.broadcast %parallel_loop3A_352 : i32 to vector<16xi32>
        %parallel_loop3A_354 = arith.addi %iota3A, %parallel_loop3A_353 : vector<16xi32>
        tpu.vector_store_idx %arg7[%parallel_loop3A_354, %parallel_loop3A_342], %parallel_loop3A_216 : memref<64x527xf32, #tpu.memory_space<vmem>>[vector<16xi32>, vector<16xi32>], vector<16xf32>,
        %parallel_loop3A_355 = arith.constant 0 : i32
        %parallel_loop3A_356 = vector.broadcast %parallel_loop3A_355 : i32 to vector<16xi32>
        %parallel_loop3A_357 = arith.constant 1 : i32
        %parallel_loop3A_358 = arith.addi %parallel_loop3A_176, %parallel_loop3A_357 : i32
        %parallel_loop3A_359 = vector.broadcast %parallel_loop3A_358 : i32 to vector<16xi32>
        %parallel_loop3A_360 = arith.addi %parallel_loop3A_356, %parallel_loop3A_359 : vector<16xi32>
        %parallel_loop3A_361 = arith.constant 0 : i32
        %parallel_loop3A_362 = vector.broadcast %parallel_loop3A_361 : i32 to vector<16xi32>
        %parallel_loop3A_363 = arith.addi %iota3A, %parallel_loop3A_362 : vector<16xi32>
        tpu.vector_store_idx %arg7[%parallel_loop3A_363, %parallel_loop3A_360], %parallel_loop3A_226 : memref<64x527xf32, #tpu.memory_space<vmem>>[vector<16xi32>, vector<16xi32>], vector<16xf32>,
        %parallel_loop3A_364 = arith.constant 16 : i32
        %parallel_loop3A_365 = vector.broadcast %parallel_loop3A_364 : i32 to vector<16xi32>
        %parallel_loop3A_366 = arith.addi %iota3A, %parallel_loop3A_365 : vector<16xi32>
        tpu.vector_store_idx %arg7[%parallel_loop3A_366, %parallel_loop3A_360], %parallel_loop3A_236 : memref<64x527xf32, #tpu.memory_space<vmem>>[vector<16xi32>, vector<16xi32>], vector<16xf32>,
        %parallel_loop3A_367 = arith.constant 32 : i32
        %parallel_loop3A_368 = vector.broadcast %parallel_loop3A_367 : i32 to vector<16xi32>
        %parallel_loop3A_369 = arith.addi %iota3A, %parallel_loop3A_368 : vector<16xi32>
        tpu.vector_store_idx %arg7[%parallel_loop3A_369, %parallel_loop3A_360], %parallel_loop3A_246 : memref<64x527xf32, #tpu.memory_space<vmem>>[vector<16xi32>, vector<16xi32>], vector<16xf32>,
        %parallel_loop3A_370 = arith.constant 48 : i32
        %parallel_loop3A_371 = vector.broadcast %parallel_loop3A_370 : i32 to vector<16xi32>
        %parallel_loop3A_372 = arith.addi %iota3A, %parallel_loop3A_371 : vector<16xi32>
        tpu.vector_store_idx %arg7[%parallel_loop3A_372, %parallel_loop3A_360], %parallel_loop3A_256 : memref<64x527xf32, #tpu.memory_space<vmem>>[vector<16xi32>, vector<16xi32>], vector<16xf32>,
        %parallel_loop3A_373 = arith.constant 0 : i32
        %parallel_loop3A_374 = vector.broadcast %parallel_loop3A_373 : i32 to vector<16xi32>
        %parallel_loop3A_375 = arith.constant 2 : i32
        %parallel_loop3A_376 = arith.addi %parallel_loop3A_176, %parallel_loop3A_375 : i32
        %parallel_loop3A_377 = vector.broadcast %parallel_loop3A_376 : i32 to vector<16xi32>
        %parallel_loop3A_378 = arith.addi %parallel_loop3A_374, %parallel_loop3A_377 : vector<16xi32>
        %parallel_loop3A_379 = arith.constant 0 : i32
        %parallel_loop3A_380 = vector.broadcast %parallel_loop3A_379 : i32 to vector<16xi32>
        %parallel_loop3A_381 = arith.addi %iota3A, %parallel_loop3A_380 : vector<16xi32>
        tpu.vector_store_idx %arg7[%parallel_loop3A_381, %parallel_loop3A_378], %parallel_loop3A_266 : memref<64x527xf32, #tpu.memory_space<vmem>>[vector<16xi32>, vector<16xi32>], vector<16xf32>,
        %parallel_loop3A_382 = arith.constant 16 : i32
        %parallel_loop3A_383 = vector.broadcast %parallel_loop3A_382 : i32 to vector<16xi32>
        %parallel_loop3A_384 = arith.addi %iota3A, %parallel_loop3A_383 : vector<16xi32>
        tpu.vector_store_idx %arg7[%parallel_loop3A_384, %parallel_loop3A_378], %parallel_loop3A_276 : memref<64x527xf32, #tpu.memory_space<vmem>>[vector<16xi32>, vector<16xi32>], vector<16xf32>,
        %parallel_loop3A_385 = arith.constant 32 : i32
        %parallel_loop3A_386 = vector.broadcast %parallel_loop3A_385 : i32 to vector<16xi32>
        %parallel_loop3A_387 = arith.addi %iota3A, %parallel_loop3A_386 : vector<16xi32>
        tpu.vector_store_idx %arg7[%parallel_loop3A_387, %parallel_loop3A_378], %parallel_loop3A_286 : memref<64x527xf32, #tpu.memory_space<vmem>>[vector<16xi32>, vector<16xi32>], vector<16xf32>,
        %parallel_loop3A_388 = arith.constant 48 : i32
        %parallel_loop3A_389 = vector.broadcast %parallel_loop3A_388 : i32 to vector<16xi32>
        %parallel_loop3A_390 = arith.addi %iota3A, %parallel_loop3A_389 : vector<16xi32>
        tpu.vector_store_idx %arg7[%parallel_loop3A_390, %parallel_loop3A_378], %parallel_loop3A_296 : memref<64x527xf32, #tpu.memory_space<vmem>>[vector<16xi32>, vector<16xi32>], vector<16xf32>,
        %parallel_loop3A_391 = arith.constant 0 : i32
        %parallel_loop3A_392 = vector.broadcast %parallel_loop3A_391 : i32 to vector<16xi32>
        %parallel_loop3A_393 = arith.constant 3 : i32
        %parallel_loop3A_394 = arith.addi %parallel_loop3A_176, %parallel_loop3A_393 : i32
        %parallel_loop3A_395 = vector.broadcast %parallel_loop3A_394 : i32 to vector<16xi32>
        %parallel_loop3A_396 = arith.addi %parallel_loop3A_392, %parallel_loop3A_395 : vector<16xi32>
        %parallel_loop3A_397 = arith.constant 0 : i32
        %parallel_loop3A_398 = vector.broadcast %parallel_loop3A_397 : i32 to vector<16xi32>
        %parallel_loop3A_399 = arith.addi %iota3A, %parallel_loop3A_398 : vector<16xi32>
        tpu.vector_store_idx %arg7[%parallel_loop3A_399, %parallel_loop3A_396], %parallel_loop3A_306 : memref<64x527xf32, #tpu.memory_space<vmem>>[vector<16xi32>, vector<16xi32>], vector<16xf32>,
        %parallel_loop3A_400 = arith.constant 16 : i32
        %parallel_loop3A_401 = vector.broadcast %parallel_loop3A_400 : i32 to vector<16xi32>
        %parallel_loop3A_402 = arith.addi %iota3A, %parallel_loop3A_401 : vector<16xi32>
        tpu.vector_store_idx %arg7[%parallel_loop3A_402, %parallel_loop3A_396], %parallel_loop3A_316 : memref<64x527xf32, #tpu.memory_space<vmem>>[vector<16xi32>, vector<16xi32>], vector<16xf32>,
        %parallel_loop3A_403 = arith.constant 32 : i32
        %parallel_loop3A_404 = vector.broadcast %parallel_loop3A_403 : i32 to vector<16xi32>
        %parallel_loop3A_405 = arith.addi %iota3A, %parallel_loop3A_404 : vector<16xi32>
        tpu.vector_store_idx %arg7[%parallel_loop3A_405, %parallel_loop3A_396], %parallel_loop3A_326 : memref<64x527xf32, #tpu.memory_space<vmem>>[vector<16xi32>, vector<16xi32>], vector<16xf32>,
        %parallel_loop3A_406 = arith.constant 48 : i32
        %parallel_loop3A_407 = vector.broadcast %parallel_loop3A_406 : i32 to vector<16xi32>
        %parallel_loop3A_408 = arith.addi %iota3A, %parallel_loop3A_407 : vector<16xi32>
        tpu.vector_store_idx %arg7[%parallel_loop3A_408, %parallel_loop3A_396], %parallel_loop3A_336 : memref<64x527xf32, #tpu.memory_space<vmem>>[vector<16xi32>, vector<16xi32>], vector<16xf32>,
      } {sc.loop_unroll_factor = 2 : i64, sc.parallel_access}
      "tpu.region"() ({
        %run_scoped3A_176 = tpu.sem_alloc : memref<!tpu.dma_semaphore, #tpu.memory_space<semaphore_mem>>
        %dma_start3A_177 = arith.constant 0 : i32
        %dma_start3A_178 = arith.constant 0 : i32
        %dma_start3A_179 = tpu.memref_slice %arg7[%dma_start3A_177, %dma_start3A_178] : memref<64x527xf32, #tpu.memory_space<vmem>> -> memref<64x512xf32, #tpu.memory_space<vmem>>
        %dma_start3A_180 = arith.constant 0 : i32
        %dma_start3A_181 = tpu.memref_slice %arg4[%add3A_60, %dma_start3A_180, %mul3A_2] : memref<200x64x16384xf32, #tpu.memory_space<hbm>> -> memref<1x64x512xf32, #tpu.memory_space<hbm>>
        %dma_start3A_182 = tpu.memref_squeeze %dma_start3A_181 : memref<1x64x512xf32, #tpu.memory_space<hbm>> -> memref<64x512xf32, #tpu.memory_space<hbm>>
        %dma_start3A_183 = arith.constant 0 : i32
        %dma_start3A_184 = tpu.memref_slice %arg4[%add3A_60, %dma_start3A_183, %mul3A_2] : memref<200x64x16384xf32, #tpu.memory_space<hbm>> -> memref<1x64x512xf32, #tpu.memory_space<hbm>>
        %dma_start3A_185 = tpu.memref_squeeze %dma_start3A_184 : memref<1x64x512xf32, #tpu.memory_space<hbm>> -> memref<64x512xf32, #tpu.memory_space<hbm>>
        %dma_start3A_186 = arith.constant 0 : i32
        %dma_start3A_187 = arith.constant 0 : i32
        %dma_start3A_188 = tpu.memref_slice %arg7[%dma_start3A_186, %dma_start3A_187] : memref<64x527xf32, #tpu.memory_space<vmem>> -> memref<64x512xf32, #tpu.memory_space<vmem>>
        tpu.enqueue_dma source(%dma_start3A_188 : memref<64x512xf32, #tpu.memory_space<vmem>>) target(%dma_start3A_185 : memref<64x512xf32, #tpu.memory_space<hbm>>) target_semaphore(%run_scoped3A_176 : memref<!tpu.dma_semaphore, #tpu.memory_space<semaphore_mem>>)
        %dma_wait3A_189 = arith.constant 0 : i32
        %dma_wait3A_190 = arith.constant 0 : i32
        %dma_wait3A_191 = tpu.memref_slice %arg7[%dma_wait3A_189, %dma_wait3A_190] : memref<64x527xf32, #tpu.memory_space<vmem>> -> memref<64x512xf32, #tpu.memory_space<vmem>>
        %dma_wait3A_192 = arith.constant 0 : i32
        %dma_wait3A_193 = tpu.memref_slice %arg4[%add3A_60, %dma_wait3A_192, %mul3A_2] : memref<200x64x16384xf32, #tpu.memory_space<hbm>> -> memref<1x64x512xf32, #tpu.memory_space<hbm>>
        %dma_wait3A_194 = tpu.memref_squeeze %dma_wait3A_193 : memref<1x64x512xf32, #tpu.memory_space<hbm>> -> memref<64x512xf32, #tpu.memory_space<hbm>>
        %dma_wait3A_195 = arith.constant 0 : i32
        %dma_wait3A_196 = tpu.memref_slice %arg4[%add3A_60, %dma_wait3A_195, %mul3A_2] : memref<200x64x16384xf32, #tpu.memory_space<hbm>> -> memref<1x64x512xf32, #tpu.memory_space<hbm>>
        %dma_wait3A_197 = tpu.memref_squeeze %dma_wait3A_196 : memref<1x64x512xf32, #tpu.memory_space<hbm>> -> memref<64x512xf32, #tpu.memory_space<hbm>>
        %dma_wait3A_198 = arith.constant 0 : i32
        %dma_wait3A_199 = arith.constant 0 : i32
        %dma_wait3A_200 = tpu.memref_slice %arg7[%dma_wait3A_198, %dma_wait3A_199] : memref<64x527xf32, #tpu.memory_space<vmem>> -> memref<64x512xf32, #tpu.memory_space<vmem>>
        tpu.wait_dma2 semaphore(%run_scoped3A_176 : memref<!tpu.dma_semaphore, #tpu.memory_space<semaphore_mem>>) src(%dma_wait3A_200 : memref<64x512xf32, #tpu.memory_space<vmem>>) dst(%dma_wait3A_197 : memref<64x512xf32, #tpu.memory_space<hbm>>)
        tpu.yield
      }) : () -> ()
      %mul3A_114 = arith.constant 2 : i32
      %mul3A_115 = arith.muli %scan3A_56, %mul3A_114 : i32
      %add3A_116 = arith.constant 1 : i32
      %add3A_117 = arith.addi %mul3A_115, %add3A_116 : i32
      %add3A_118 = arith.constant 1 : i32
      %add3A_119 = arith.addi %add3A_117, %add3A_118 : i32
      %lt3A_120 = arith.constant 200 : i32
      %lt3A_121 = arith.cmpi slt, %add3A_119, %lt3A_120 : i32
      %convert_element_type3A_122 = arith.extui %lt3A_121 : i1 to i32
      %cond3A_123 = arith.constant 0 : i32
      %cond3A_124 = arith.cmpi ne, %convert_element_type3A_122, %cond3A_123 : i32
      scf.if %cond3A_124 {
        %run_scoped3A_176 = arith.constant 0 : i32
        "tpu.region"() ({
          %run_scoped3A_225 = tpu.sem_alloc : memref<!tpu.dma_semaphore, #tpu.memory_space<semaphore_mem>>
          %dma_start3A_226 = arith.constant 0 : i32
          %dma_start3A_227 = tpu.memref_slice %arg5[%run_scoped3A_176, %dma_start3A_226] : memref<2x512xi32, #tpu.memory_space<vmem>> -> memref<1x512xi32, #tpu.memory_space<vmem>>
          %dma_start3A_228 = tpu.memref_squeeze %dma_start3A_227 : memref<1x512xi32, #tpu.memory_space<vmem>> -> memref<512xi32, #tpu.memory_space<vmem>>
          %dma_start3A_229 = tpu.memref_slice %arg2[%add3A_119, %mul3A_2] : memref<200x16384xi32, #tpu.memory_space<hbm>> -> memref<1x512xi32, #tpu.memory_space<hbm>>
          %dma_start3A_230 = tpu.memref_squeeze %dma_start3A_229 : memref<1x512xi32, #tpu.memory_space<hbm>> -> memref<512xi32, #tpu.memory_space<hbm>>
          %dma_start3A_231 = arith.constant 0 : i32
          %dma_start3A_232 = tpu.memref_slice %arg5[%run_scoped3A_176, %dma_start3A_231] : memref<2x512xi32, #tpu.memory_space<vmem>> -> memref<1x512xi32, #tpu.memory_space<vmem>>
          %dma_start3A_233 = tpu.memref_squeeze %dma_start3A_232 : memref<1x512xi32, #tpu.memory_space<vmem>> -> memref<512xi32, #tpu.memory_space<vmem>>
          %dma_start3A_234 = tpu.memref_slice %arg2[%add3A_119, %mul3A_2] : memref<200x16384xi32, #tpu.memory_space<hbm>> -> memref<1x512xi32, #tpu.memory_space<hbm>>
          %dma_start3A_235 = tpu.memref_squeeze %dma_start3A_234 : memref<1x512xi32, #tpu.memory_space<hbm>> -> memref<512xi32, #tpu.memory_space<hbm>>
          tpu.enqueue_dma source(%dma_start3A_235 : memref<512xi32, #tpu.memory_space<hbm>>) target(%dma_start3A_233 : memref<512xi32, #tpu.memory_space<vmem>>) target_semaphore(%run_scoped3A_225 : memref<!tpu.dma_semaphore, #tpu.memory_space<semaphore_mem>>)
          %dma_wait3A_236 = arith.constant 0 : i32
          %dma_wait3A_237 = tpu.memref_slice %arg5[%run_scoped3A_176, %dma_wait3A_236] : memref<2x512xi32, #tpu.memory_space<vmem>> -> memref<1x512xi32, #tpu.memory_space<vmem>>
          %dma_wait3A_238 = tpu.memref_squeeze %dma_wait3A_237 : memref<1x512xi32, #tpu.memory_space<vmem>> -> memref<512xi32, #tpu.memory_space<vmem>>
          %dma_wait3A_239 = tpu.memref_slice %arg2[%add3A_119, %mul3A_2] : memref<200x16384xi32, #tpu.memory_space<hbm>> -> memref<1x512xi32, #tpu.memory_space<hbm>>
          %dma_wait3A_240 = tpu.memref_squeeze %dma_wait3A_239 : memref<1x512xi32, #tpu.memory_space<hbm>> -> memref<512xi32, #tpu.memory_space<hbm>>
          %dma_wait3A_241 = arith.constant 0 : i32
          %dma_wait3A_242 = tpu.memref_slice %arg5[%run_scoped3A_176, %dma_wait3A_241] : memref<2x512xi32, #tpu.memory_space<vmem>> -> memref<1x512xi32, #tpu.memory_space<vmem>>
          %dma_wait3A_243 = tpu.memref_squeeze %dma_wait3A_242 : memref<1x512xi32, #tpu.memory_space<vmem>> -> memref<512xi32, #tpu.memory_space<vmem>>
          %dma_wait3A_244 = tpu.memref_slice %arg2[%add3A_119, %mul3A_2] : memref<200x16384xi32, #tpu.memory_space<hbm>> -> memref<1x512xi32, #tpu.memory_space<hbm>>
          %dma_wait3A_245 = tpu.memref_squeeze %dma_wait3A_244 : memref<1x512xi32, #tpu.memory_space<hbm>> -> memref<512xi32, #tpu.memory_space<hbm>>
          tpu.wait_dma2 semaphore(%run_scoped3A_225 : memref<!tpu.dma_semaphore, #tpu.memory_space<semaphore_mem>>) src(%dma_wait3A_245 : memref<512xi32, #tpu.memory_space<hbm>>) dst(%dma_wait3A_243 : memref<512xi32, #tpu.memory_space<vmem>>)
          tpu.yield
        }) : () -> ()
        %dma_start3A_177 = arith.constant 0 : i32
        %dma_start3A_178 = arith.constant 0 : i32
        %dma_start3A_179 = arith.constant 0 : i32
        %dma_start3A_180 = arith.constant 0 : i32
        %dma_start3A_181 = tpu.memref_slice %arg6[%dma_start3A_178, %dma_start3A_179, %dma_start3A_180] : memref<2x512x64xf32, #tpu.memory_space<vmem>> -> memref<1x128x64xf32, #tpu.memory_space<vmem>>
        %dma_start3A_182 = tpu.memref_squeeze %dma_start3A_181 : memref<1x128x64xf32, #tpu.memory_space<vmem>> -> memref<128x64xf32, #tpu.memory_space<vmem>>
        %dma_start3A_183 = arith.constant 0 : i32
        %dma_start3A_184 = tpu.memref_slice %arg5[%dma_start3A_177, %dma_start3A_183] : memref<2x512xi32, #tpu.memory_space<vmem>> -> memref<1x128xi32, #tpu.memory_space<vmem>>
        %dma_start3A_185 = tpu.memref_squeeze %dma_start3A_184 : memref<1x128xi32, #tpu.memory_space<vmem>> -> memref<128xi32, #tpu.memory_space<vmem>>
        %dma_start3A_186 = arith.constant 0 : i32
        %dma_start3A_187 = arith.constant 0 : i32
        %dma_start3A_188 = tpu.memref_slice %arg3[%dma_start3A_186, %dma_start3A_187] : memref<1000000x64xf32, #tpu.memory_space<hbm>> -> memref<1000000x64xf32, #tpu.memory_space<hbm>>
        tpu.enqueue_indirect_dma source(%dma_start3A_188 : memref<1000000x64xf32, #tpu.memory_space<hbm>>) target(%dma_start3A_182 : memref<128x64xf32, #tpu.memory_space<vmem>>) offsets(%dma_start3A_185 : memref<128xi32, #tpu.memory_space<vmem>>) semaphore(%arg8 : memref<!tpu.dma_semaphore, #tpu.memory_space<semaphore_mem>>)
        %dma_start3A_189 = arith.constant 0 : i32
        %dma_start3A_190 = arith.constant 0 : i32
        %dma_start3A_191 = arith.constant 128 : i32
        %dma_start3A_192 = arith.constant 0 : i32
        %dma_start3A_193 = tpu.memref_slice %arg6[%dma_start3A_190, %dma_start3A_191, %dma_start3A_192] : memref<2x512x64xf32, #tpu.memory_space<vmem>> -> memref<1x128x64xf32, #tpu.memory_space<vmem>>
        %dma_start3A_194 = tpu.memref_squeeze %dma_start3A_193 : memref<1x128x64xf32, #tpu.memory_space<vmem>> -> memref<128x64xf32, #tpu.memory_space<vmem>>
        %dma_start3A_195 = arith.constant 128 : i32
        %dma_start3A_196 = tpu.memref_slice %arg5[%dma_start3A_189, %dma_start3A_195] : memref<2x512xi32, #tpu.memory_space<vmem>> -> memref<1x128xi32, #tpu.memory_space<vmem>>
        %dma_start3A_197 = tpu.memref_squeeze %dma_start3A_196 : memref<1x128xi32, #tpu.memory_space<vmem>> -> memref<128xi32, #tpu.memory_space<vmem>>
        %dma_start3A_198 = arith.constant 0 : i32
        %dma_start3A_199 = arith.constant 0 : i32
        %dma_start3A_200 = tpu.memref_slice %arg3[%dma_start3A_198, %dma_start3A_199] : memref<1000000x64xf32, #tpu.memory_space<hbm>> -> memref<1000000x64xf32, #tpu.memory_space<hbm>>
        tpu.enqueue_indirect_dma source(%dma_start3A_200 : memref<1000000x64xf32, #tpu.memory_space<hbm>>) target(%dma_start3A_194 : memref<128x64xf32, #tpu.memory_space<vmem>>) offsets(%dma_start3A_197 : memref<128xi32, #tpu.memory_space<vmem>>) semaphore(%arg8 : memref<!tpu.dma_semaphore, #tpu.memory_space<semaphore_mem>>)
        %dma_start3A_201 = arith.constant 0 : i32
        %dma_start3A_202 = arith.constant 0 : i32
        %dma_start3A_203 = arith.constant 256 : i32
        %dma_start3A_204 = arith.constant 0 : i32
        %dma_start3A_205 = tpu.memref_slice %arg6[%dma_start3A_202, %dma_start3A_203, %dma_start3A_204] : memref<2x512x64xf32, #tpu.memory_space<vmem>> -> memref<1x128x64xf32, #tpu.memory_space<vmem>>
        %dma_start3A_206 = tpu.memref_squeeze %dma_start3A_205 : memref<1x128x64xf32, #tpu.memory_space<vmem>> -> memref<128x64xf32, #tpu.memory_space<vmem>>
        %dma_start3A_207 = arith.constant 256 : i32
        %dma_start3A_208 = tpu.memref_slice %arg5[%dma_start3A_201, %dma_start3A_207] : memref<2x512xi32, #tpu.memory_space<vmem>> -> memref<1x128xi32, #tpu.memory_space<vmem>>
        %dma_start3A_209 = tpu.memref_squeeze %dma_start3A_208 : memref<1x128xi32, #tpu.memory_space<vmem>> -> memref<128xi32, #tpu.memory_space<vmem>>
        %dma_start3A_210 = arith.constant 0 : i32
        %dma_start3A_211 = arith.constant 0 : i32
        %dma_start3A_212 = tpu.memref_slice %arg3[%dma_start3A_210, %dma_start3A_211] : memref<1000000x64xf32, #tpu.memory_space<hbm>> -> memref<1000000x64xf32, #tpu.memory_space<hbm>>
        tpu.enqueue_indirect_dma source(%dma_start3A_212 : memref<1000000x64xf32, #tpu.memory_space<hbm>>) target(%dma_start3A_206 : memref<128x64xf32, #tpu.memory_space<vmem>>) offsets(%dma_start3A_209 : memref<128xi32, #tpu.memory_space<vmem>>) semaphore(%arg8 : memref<!tpu.dma_semaphore, #tpu.memory_space<semaphore_mem>>)
        %dma_start3A_213 = arith.constant 0 : i32
        %dma_start3A_214 = arith.constant 0 : i32
        %dma_start3A_215 = arith.constant 384 : i32
        %dma_start3A_216 = arith.constant 0 : i32
        %dma_start3A_217 = tpu.memref_slice %arg6[%dma_start3A_214, %dma_start3A_215, %dma_start3A_216] : memref<2x512x64xf32, #tpu.memory_space<vmem>> -> memref<1x128x64xf32, #tpu.memory_space<vmem>>
        %dma_start3A_218 = tpu.memref_squeeze %dma_start3A_217 : memref<1x128x64xf32, #tpu.memory_space<vmem>> -> memref<128x64xf32, #tpu.memory_space<vmem>>
        %dma_start3A_219 = arith.constant 384 : i32
        %dma_start3A_220 = tpu.memref_slice %arg5[%dma_start3A_213, %dma_start3A_219] : memref<2x512xi32, #tpu.memory_space<vmem>> -> memref<1x128xi32, #tpu.memory_space<vmem>>
        %dma_start3A_221 = tpu.memref_squeeze %dma_start3A_220 : memref<1x128xi32, #tpu.memory_space<vmem>> -> memref<128xi32, #tpu.memory_space<vmem>>
        %dma_start3A_222 = arith.constant 0 : i32
        %dma_start3A_223 = arith.constant 0 : i32
        %dma_start3A_224 = tpu.memref_slice %arg3[%dma_start3A_222, %dma_start3A_223] : memref<1000000x64xf32, #tpu.memory_space<hbm>> -> memref<1000000x64xf32, #tpu.memory_space<hbm>>
        tpu.enqueue_indirect_dma source(%dma_start3A_224 : memref<1000000x64xf32, #tpu.memory_space<hbm>>) target(%dma_start3A_218 : memref<128x64xf32, #tpu.memory_space<vmem>>) offsets(%dma_start3A_221 : memref<128xi32, #tpu.memory_space<vmem>>) semaphore(%arg8 : memref<!tpu.dma_semaphore, #tpu.memory_space<semaphore_mem>>)
      } else {
      }
      %dma_wait3A_125 = arith.constant 1 : i32
      %dma_wait3A_126 = arith.constant 1 : i32
      %dma_wait3A_127 = arith.constant 0 : i32
      %dma_wait3A_128 = arith.constant 0 : i32
      %dma_wait3A_129 = tpu.memref_slice %arg6[%dma_wait3A_126, %dma_wait3A_127, %dma_wait3A_128] : memref<2x512x64xf32, #tpu.memory_space<vmem>> -> memref<1x128x64xf32, #tpu.memory_space<vmem>>
      %dma_wait3A_130 = tpu.memref_squeeze %dma_wait3A_129 : memref<1x128x64xf32, #tpu.memory_space<vmem>> -> memref<128x64xf32, #tpu.memory_space<vmem>>
      %dma_wait3A_131 = arith.constant 0 : i32
      %dma_wait3A_132 = tpu.memref_slice %arg5[%dma_wait3A_125, %dma_wait3A_131] : memref<2x512xi32, #tpu.memory_space<vmem>> -> memref<1x128xi32, #tpu.memory_space<vmem>>
      %dma_wait3A_133 = tpu.memref_squeeze %dma_wait3A_132 : memref<1x128xi32, #tpu.memory_space<vmem>> -> memref<128xi32, #tpu.memory_space<vmem>>
      %dma_wait3A_134 = arith.constant 0 : i32
      %dma_wait3A_135 = arith.constant 0 : i32
      %dma_wait3A_136 = tpu.memref_slice %arg3[%dma_wait3A_134, %dma_wait3A_135] : memref<1000000x64xf32, #tpu.memory_space<hbm>> -> memref<1000000x64xf32, #tpu.memory_space<hbm>>
      tpu.wait_indirect_dma semaphore(%arg9 : memref<!tpu.dma_semaphore, #tpu.memory_space<semaphore_mem>>) src(%dma_wait3A_136 : memref<1000000x64xf32, #tpu.memory_space<hbm>>) dst(%dma_wait3A_130 : memref<128x64xf32, #tpu.memory_space<vmem>>)
      %dma_wait3A_137 = arith.constant 1 : i32
      %dma_wait3A_138 = arith.constant 1 : i32
      %dma_wait3A_139 = arith.constant 128 : i32
      %dma_wait3A_140 = arith.constant 0 : i32
      %dma_wait3A_141 = tpu.memref_slice %arg6[%dma_wait3A_138, %dma_wait3A_139, %dma_wait3A_140] : memref<2x512x64xf32, #tpu.memory_space<vmem>> -> memref<1x128x64xf32, #tpu.memory_space<vmem>>
      %dma_wait3A_142 = tpu.memref_squeeze %dma_wait3A_141 : memref<1x128x64xf32, #tpu.memory_space<vmem>> -> memref<128x64xf32, #tpu.memory_space<vmem>>
      %dma_wait3A_143 = arith.constant 128 : i32
      %dma_wait3A_144 = tpu.memref_slice %arg5[%dma_wait3A_137, %dma_wait3A_143] : memref<2x512xi32, #tpu.memory_space<vmem>> -> memref<1x128xi32, #tpu.memory_space<vmem>>
      %dma_wait3A_145 = tpu.memref_squeeze %dma_wait3A_144 : memref<1x128xi32, #tpu.memory_space<vmem>> -> memref<128xi32, #tpu.memory_space<vmem>>
      %dma_wait3A_146 = arith.constant 0 : i32
      %dma_wait3A_147 = arith.constant 0 : i32
      %dma_wait3A_148 = tpu.memref_slice %arg3[%dma_wait3A_146, %dma_wait3A_147] : memref<1000000x64xf32, #tpu.memory_space<hbm>> -> memref<1000000x64xf32, #tpu.memory_space<hbm>>
      tpu.wait_indirect_dma semaphore(%arg9 : memref<!tpu.dma_semaphore, #tpu.memory_space<semaphore_mem>>) src(%dma_wait3A_148 : memref<1000000x64xf32, #tpu.memory_space<hbm>>) dst(%dma_wait3A_142 : memref<128x64xf32, #tpu.memory_space<vmem>>)
      %dma_wait3A_149 = arith.constant 1 : i32
      %dma_wait3A_150 = arith.constant 1 : i32
      %dma_wait3A_151 = arith.constant 256 : i32
      %dma_wait3A_152 = arith.constant 0 : i32
      %dma_wait3A_153 = tpu.memref_slice %arg6[%dma_wait3A_150, %dma_wait3A_151, %dma_wait3A_152] : memref<2x512x64xf32, #tpu.memory_space<vmem>> -> memref<1x128x64xf32, #tpu.memory_space<vmem>>
      %dma_wait3A_154 = tpu.memref_squeeze %dma_wait3A_153 : memref<1x128x64xf32, #tpu.memory_space<vmem>> -> memref<128x64xf32, #tpu.memory_space<vmem>>
      %dma_wait3A_155 = arith.constant 256 : i32
      %dma_wait3A_156 = tpu.memref_slice %arg5[%dma_wait3A_149, %dma_wait3A_155] : memref<2x512xi32, #tpu.memory_space<vmem>> -> memref<1x128xi32, #tpu.memory_space<vmem>>
      %dma_wait3A_157 = tpu.memref_squeeze %dma_wait3A_156 : memref<1x128xi32, #tpu.memory_space<vmem>> -> memref<128xi32, #tpu.memory_space<vmem>>
      %dma_wait3A_158 = arith.constant 0 : i32
      %dma_wait3A_159 = arith.constant 0 : i32
      %dma_wait3A_160 = tpu.memref_slice %arg3[%dma_wait3A_158, %dma_wait3A_159] : memref<1000000x64xf32, #tpu.memory_space<hbm>> -> memref<1000000x64xf32, #tpu.memory_space<hbm>>
      tpu.wait_indirect_dma semaphore(%arg9 : memref<!tpu.dma_semaphore, #tpu.memory_space<semaphore_mem>>) src(%dma_wait3A_160 : memref<1000000x64xf32, #tpu.memory_space<hbm>>) dst(%dma_wait3A_154 : memref<128x64xf32, #tpu.memory_space<vmem>>)
      %dma_wait3A_161 = arith.constant 1 : i32
      %dma_wait3A_162 = arith.constant 1 : i32
      %dma_wait3A_163 = arith.constant 384 : i32
      %dma_wait3A_164 = arith.constant 0 : i32
      %dma_wait3A_165 = tpu.memref_slice %arg6[%dma_wait3A_162, %dma_wait3A_163, %dma_wait3A_164] : memref<2x512x64xf32, #tpu.memory_space<vmem>> -> memref<1x128x64xf32, #tpu.memory_space<vmem>>
      %dma_wait3A_166 = tpu.memref_squeeze %dma_wait3A_165 : memref<1x128x64xf32, #tpu.memory_space<vmem>> -> memref<128x64xf32, #tpu.memory_space<vmem>>
      %dma_wait3A_167 = arith.constant 384 : i32
      %dma_wait3A_168 = tpu.memref_slice %arg5[%dma_wait3A_161, %dma_wait3A_167] : memref<2x512xi32, #tpu.memory_space<vmem>> -> memref<1x128xi32, #tpu.memory_space<vmem>>
      %dma_wait3A_169 = tpu.memref_squeeze %dma_wait3A_168 : memref<1x128xi32, #tpu.memory_space<vmem>> -> memref<128xi32, #tpu.memory_space<vmem>>
      %dma_wait3A_170 = arith.constant 0 : i32
      %dma_wait3A_171 = arith.constant 0 : i32
      %dma_wait3A_172 = tpu.memref_slice %arg3[%dma_wait3A_170, %dma_wait3A_171] : memref<1000000x64xf32, #tpu.memory_space<hbm>> -> memref<1000000x64xf32, #tpu.memory_space<hbm>>
      tpu.wait_indirect_dma semaphore(%arg9 : memref<!tpu.dma_semaphore, #tpu.memory_space<semaphore_mem>>) src(%dma_wait3A_172 : memref<1000000x64xf32, #tpu.memory_space<hbm>>) dst(%dma_wait3A_166 : memref<128x64xf32, #tpu.memory_space<vmem>>)
      %parallel_loop3A_173 = arith.constant 0 : i32
      %parallel_loop3A_174 = arith.constant 512 : i32
      %parallel_loop3A_175 = arith.constant 4 : i32
      scf.for %parallel_loop3A_176 = %parallel_loop3A_173 to %parallel_loop3A_174 step %parallel_loop3A_175  : i32 {
        %parallel_loop3A_177 = arith.constant 0 : i32
        %parallel_loop3A_178 = arith.addi %parallel_loop3A_176, %parallel_loop3A_177 : i32
        %parallel_loop3A_179 = arith.constant 1 : i32
        %parallel_loop3A_180 = arith.index_cast %parallel_loop3A_179 : i32 to index
        %parallel_loop3A_181 = arith.index_cast %parallel_loop3A_178 : i32 to index
        %parallel_loop3A_182 = arith.constant 0 : index
        %parallel_loop3A_183 = tpu.vector_load %arg6[%parallel_loop3A_180, %parallel_loop3A_181, %parallel_loop3A_182] {strides = array<i32>} : memref<2x512x64xf32, #tpu.memory_space<vmem>>, vector<16xf32>,
        %parallel_loop3A_184 = arith.constant 8.000000e+00 : f32
        %parallel_loop3A_185 = vector.broadcast %parallel_loop3A_184 : f32 to vector<16xf32>
        %parallel_loop3A_186 = arith.mulf %parallel_loop3A_183, %parallel_loop3A_185 : vector<16xf32>
        %parallel_loop3A_187 = arith.constant 0 : i32
        %parallel_loop3A_188 = arith.addi %parallel_loop3A_176, %parallel_loop3A_187 : i32
        %parallel_loop3A_189 = arith.constant 1 : i32
        %parallel_loop3A_190 = arith.index_cast %parallel_loop3A_189 : i32 to index
        %parallel_loop3A_191 = arith.index_cast %parallel_loop3A_188 : i32 to index
        %parallel_loop3A_192 = arith.constant 16 : index
        %parallel_loop3A_193 = tpu.vector_load %arg6[%parallel_loop3A_190, %parallel_loop3A_191, %parallel_loop3A_192] {strides = array<i32>} : memref<2x512x64xf32, #tpu.memory_space<vmem>>, vector<16xf32>,
        %parallel_loop3A_194 = arith.constant 8.000000e+00 : f32
        %parallel_loop3A_195 = vector.broadcast %parallel_loop3A_194 : f32 to vector<16xf32>
        %parallel_loop3A_196 = arith.mulf %parallel_loop3A_193, %parallel_loop3A_195 : vector<16xf32>
        %parallel_loop3A_197 = arith.constant 0 : i32
        %parallel_loop3A_198 = arith.addi %parallel_loop3A_176, %parallel_loop3A_197 : i32
        %parallel_loop3A_199 = arith.constant 1 : i32
        %parallel_loop3A_200 = arith.index_cast %parallel_loop3A_199 : i32 to index
        %parallel_loop3A_201 = arith.index_cast %parallel_loop3A_198 : i32 to index
        %parallel_loop3A_202 = arith.constant 32 : index
        %parallel_loop3A_203 = tpu.vector_load %arg6[%parallel_loop3A_200, %parallel_loop3A_201, %parallel_loop3A_202] {strides = array<i32>} : memref<2x512x64xf32, #tpu.memory_space<vmem>>, vector<16xf32>,
        %parallel_loop3A_204 = arith.constant 8.000000e+00 : f32
        %parallel_loop3A_205 = vector.broadcast %parallel_loop3A_204 : f32 to vector<16xf32>
        %parallel_loop3A_206 = arith.mulf %parallel_loop3A_203, %parallel_loop3A_205 : vector<16xf32>
        %parallel_loop3A_207 = arith.constant 0 : i32
        %parallel_loop3A_208 = arith.addi %parallel_loop3A_176, %parallel_loop3A_207 : i32
        %parallel_loop3A_209 = arith.constant 1 : i32
        %parallel_loop3A_210 = arith.index_cast %parallel_loop3A_209 : i32 to index
        %parallel_loop3A_211 = arith.index_cast %parallel_loop3A_208 : i32 to index
        %parallel_loop3A_212 = arith.constant 48 : index
        %parallel_loop3A_213 = tpu.vector_load %arg6[%parallel_loop3A_210, %parallel_loop3A_211, %parallel_loop3A_212] {strides = array<i32>} : memref<2x512x64xf32, #tpu.memory_space<vmem>>, vector<16xf32>,
        %parallel_loop3A_214 = arith.constant 8.000000e+00 : f32
        %parallel_loop3A_215 = vector.broadcast %parallel_loop3A_214 : f32 to vector<16xf32>
        %parallel_loop3A_216 = arith.mulf %parallel_loop3A_213, %parallel_loop3A_215 : vector<16xf32>
        %parallel_loop3A_217 = arith.constant 1 : i32
        %parallel_loop3A_218 = arith.addi %parallel_loop3A_176, %parallel_loop3A_217 : i32
        %parallel_loop3A_219 = arith.constant 1 : i32
        %parallel_loop3A_220 = arith.index_cast %parallel_loop3A_219 : i32 to index
        %parallel_loop3A_221 = arith.index_cast %parallel_loop3A_218 : i32 to index
        %parallel_loop3A_222 = arith.constant 0 : index
        %parallel_loop3A_223 = tpu.vector_load %arg6[%parallel_loop3A_220, %parallel_loop3A_221, %parallel_loop3A_222] {strides = array<i32>} : memref<2x512x64xf32, #tpu.memory_space<vmem>>, vector<16xf32>,
        %parallel_loop3A_224 = arith.constant 8.000000e+00 : f32
        %parallel_loop3A_225 = vector.broadcast %parallel_loop3A_224 : f32 to vector<16xf32>
        %parallel_loop3A_226 = arith.mulf %parallel_loop3A_223, %parallel_loop3A_225 : vector<16xf32>
        %parallel_loop3A_227 = arith.constant 1 : i32
        %parallel_loop3A_228 = arith.addi %parallel_loop3A_176, %parallel_loop3A_227 : i32
        %parallel_loop3A_229 = arith.constant 1 : i32
        %parallel_loop3A_230 = arith.index_cast %parallel_loop3A_229 : i32 to index
        %parallel_loop3A_231 = arith.index_cast %parallel_loop3A_228 : i32 to index
        %parallel_loop3A_232 = arith.constant 16 : index
        %parallel_loop3A_233 = tpu.vector_load %arg6[%parallel_loop3A_230, %parallel_loop3A_231, %parallel_loop3A_232] {strides = array<i32>} : memref<2x512x64xf32, #tpu.memory_space<vmem>>, vector<16xf32>,
        %parallel_loop3A_234 = arith.constant 8.000000e+00 : f32
        %parallel_loop3A_235 = vector.broadcast %parallel_loop3A_234 : f32 to vector<16xf32>
        %parallel_loop3A_236 = arith.mulf %parallel_loop3A_233, %parallel_loop3A_235 : vector<16xf32>
        %parallel_loop3A_237 = arith.constant 1 : i32
        %parallel_loop3A_238 = arith.addi %parallel_loop3A_176, %parallel_loop3A_237 : i32
        %parallel_loop3A_239 = arith.constant 1 : i32
        %parallel_loop3A_240 = arith.index_cast %parallel_loop3A_239 : i32 to index
        %parallel_loop3A_241 = arith.index_cast %parallel_loop3A_238 : i32 to index
        %parallel_loop3A_242 = arith.constant 32 : index
        %parallel_loop3A_243 = tpu.vector_load %arg6[%parallel_loop3A_240, %parallel_loop3A_241, %parallel_loop3A_242] {strides = array<i32>} : memref<2x512x64xf32, #tpu.memory_space<vmem>>, vector<16xf32>,
        %parallel_loop3A_244 = arith.constant 8.000000e+00 : f32
        %parallel_loop3A_245 = vector.broadcast %parallel_loop3A_244 : f32 to vector<16xf32>
        %parallel_loop3A_246 = arith.mulf %parallel_loop3A_243, %parallel_loop3A_245 : vector<16xf32>
        %parallel_loop3A_247 = arith.constant 1 : i32
        %parallel_loop3A_248 = arith.addi %parallel_loop3A_176, %parallel_loop3A_247 : i32
        %parallel_loop3A_249 = arith.constant 1 : i32
        %parallel_loop3A_250 = arith.index_cast %parallel_loop3A_249 : i32 to index
        %parallel_loop3A_251 = arith.index_cast %parallel_loop3A_248 : i32 to index
        %parallel_loop3A_252 = arith.constant 48 : index
        %parallel_loop3A_253 = tpu.vector_load %arg6[%parallel_loop3A_250, %parallel_loop3A_251, %parallel_loop3A_252] {strides = array<i32>} : memref<2x512x64xf32, #tpu.memory_space<vmem>>, vector<16xf32>,
        %parallel_loop3A_254 = arith.constant 8.000000e+00 : f32
        %parallel_loop3A_255 = vector.broadcast %parallel_loop3A_254 : f32 to vector<16xf32>
        %parallel_loop3A_256 = arith.mulf %parallel_loop3A_253, %parallel_loop3A_255 : vector<16xf32>
        %parallel_loop3A_257 = arith.constant 2 : i32
        %parallel_loop3A_258 = arith.addi %parallel_loop3A_176, %parallel_loop3A_257 : i32
        %parallel_loop3A_259 = arith.constant 1 : i32
        %parallel_loop3A_260 = arith.index_cast %parallel_loop3A_259 : i32 to index
        %parallel_loop3A_261 = arith.index_cast %parallel_loop3A_258 : i32 to index
        %parallel_loop3A_262 = arith.constant 0 : index
        %parallel_loop3A_263 = tpu.vector_load %arg6[%parallel_loop3A_260, %parallel_loop3A_261, %parallel_loop3A_262] {strides = array<i32>} : memref<2x512x64xf32, #tpu.memory_space<vmem>>, vector<16xf32>,
        %parallel_loop3A_264 = arith.constant 8.000000e+00 : f32
        %parallel_loop3A_265 = vector.broadcast %parallel_loop3A_264 : f32 to vector<16xf32>
        %parallel_loop3A_266 = arith.mulf %parallel_loop3A_263, %parallel_loop3A_265 : vector<16xf32>
        %parallel_loop3A_267 = arith.constant 2 : i32
        %parallel_loop3A_268 = arith.addi %parallel_loop3A_176, %parallel_loop3A_267 : i32
        %parallel_loop3A_269 = arith.constant 1 : i32
        %parallel_loop3A_270 = arith.index_cast %parallel_loop3A_269 : i32 to index
        %parallel_loop3A_271 = arith.index_cast %parallel_loop3A_268 : i32 to index
        %parallel_loop3A_272 = arith.constant 16 : index
        %parallel_loop3A_273 = tpu.vector_load %arg6[%parallel_loop3A_270, %parallel_loop3A_271, %parallel_loop3A_272] {strides = array<i32>} : memref<2x512x64xf32, #tpu.memory_space<vmem>>, vector<16xf32>,
        %parallel_loop3A_274 = arith.constant 8.000000e+00 : f32
        %parallel_loop3A_275 = vector.broadcast %parallel_loop3A_274 : f32 to vector<16xf32>
        %parallel_loop3A_276 = arith.mulf %parallel_loop3A_273, %parallel_loop3A_275 : vector<16xf32>
        %parallel_loop3A_277 = arith.constant 2 : i32
        %parallel_loop3A_278 = arith.addi %parallel_loop3A_176, %parallel_loop3A_277 : i32
        %parallel_loop3A_279 = arith.constant 1 : i32
        %parallel_loop3A_280 = arith.index_cast %parallel_loop3A_279 : i32 to index
        %parallel_loop3A_281 = arith.index_cast %parallel_loop3A_278 : i32 to index
        %parallel_loop3A_282 = arith.constant 32 : index
        %parallel_loop3A_283 = tpu.vector_load %arg6[%parallel_loop3A_280, %parallel_loop3A_281, %parallel_loop3A_282] {strides = array<i32>} : memref<2x512x64xf32, #tpu.memory_space<vmem>>, vector<16xf32>,
        %parallel_loop3A_284 = arith.constant 8.000000e+00 : f32
        %parallel_loop3A_285 = vector.broadcast %parallel_loop3A_284 : f32 to vector<16xf32>
        %parallel_loop3A_286 = arith.mulf %parallel_loop3A_283, %parallel_loop3A_285 : vector<16xf32>
        %parallel_loop3A_287 = arith.constant 2 : i32
        %parallel_loop3A_288 = arith.addi %parallel_loop3A_176, %parallel_loop3A_287 : i32
        %parallel_loop3A_289 = arith.constant 1 : i32
        %parallel_loop3A_290 = arith.index_cast %parallel_loop3A_289 : i32 to index
        %parallel_loop3A_291 = arith.index_cast %parallel_loop3A_288 : i32 to index
        %parallel_loop3A_292 = arith.constant 48 : index
        %parallel_loop3A_293 = tpu.vector_load %arg6[%parallel_loop3A_290, %parallel_loop3A_291, %parallel_loop3A_292] {strides = array<i32>} : memref<2x512x64xf32, #tpu.memory_space<vmem>>, vector<16xf32>,
        %parallel_loop3A_294 = arith.constant 8.000000e+00 : f32
        %parallel_loop3A_295 = vector.broadcast %parallel_loop3A_294 : f32 to vector<16xf32>
        %parallel_loop3A_296 = arith.mulf %parallel_loop3A_293, %parallel_loop3A_295 : vector<16xf32>
        %parallel_loop3A_297 = arith.constant 3 : i32
        %parallel_loop3A_298 = arith.addi %parallel_loop3A_176, %parallel_loop3A_297 : i32
        %parallel_loop3A_299 = arith.constant 1 : i32
        %parallel_loop3A_300 = arith.index_cast %parallel_loop3A_299 : i32 to index
        %parallel_loop3A_301 = arith.index_cast %parallel_loop3A_298 : i32 to index
        %parallel_loop3A_302 = arith.constant 0 : index
        %parallel_loop3A_303 = tpu.vector_load %arg6[%parallel_loop3A_300, %parallel_loop3A_301, %parallel_loop3A_302] {strides = array<i32>} : memref<2x512x64xf32, #tpu.memory_space<vmem>>, vector<16xf32>,
        %parallel_loop3A_304 = arith.constant 8.000000e+00 : f32
        %parallel_loop3A_305 = vector.broadcast %parallel_loop3A_304 : f32 to vector<16xf32>
        %parallel_loop3A_306 = arith.mulf %parallel_loop3A_303, %parallel_loop3A_305 : vector<16xf32>
        %parallel_loop3A_307 = arith.constant 3 : i32
        %parallel_loop3A_308 = arith.addi %parallel_loop3A_176, %parallel_loop3A_307 : i32
        %parallel_loop3A_309 = arith.constant 1 : i32
        %parallel_loop3A_310 = arith.index_cast %parallel_loop3A_309 : i32 to index
        %parallel_loop3A_311 = arith.index_cast %parallel_loop3A_308 : i32 to index
        %parallel_loop3A_312 = arith.constant 16 : index
        %parallel_loop3A_313 = tpu.vector_load %arg6[%parallel_loop3A_310, %parallel_loop3A_311, %parallel_loop3A_312] {strides = array<i32>} : memref<2x512x64xf32, #tpu.memory_space<vmem>>, vector<16xf32>,
        %parallel_loop3A_314 = arith.constant 8.000000e+00 : f32
        %parallel_loop3A_315 = vector.broadcast %parallel_loop3A_314 : f32 to vector<16xf32>
        %parallel_loop3A_316 = arith.mulf %parallel_loop3A_313, %parallel_loop3A_315 : vector<16xf32>
        %parallel_loop3A_317 = arith.constant 3 : i32
        %parallel_loop3A_318 = arith.addi %parallel_loop3A_176, %parallel_loop3A_317 : i32
        %parallel_loop3A_319 = arith.constant 1 : i32
        %parallel_loop3A_320 = arith.index_cast %parallel_loop3A_319 : i32 to index
        %parallel_loop3A_321 = arith.index_cast %parallel_loop3A_318 : i32 to index
        %parallel_loop3A_322 = arith.constant 32 : index
        %parallel_loop3A_323 = tpu.vector_load %arg6[%parallel_loop3A_320, %parallel_loop3A_321, %parallel_loop3A_322] {strides = array<i32>} : memref<2x512x64xf32, #tpu.memory_space<vmem>>, vector<16xf32>,
        %parallel_loop3A_324 = arith.constant 8.000000e+00 : f32
        %parallel_loop3A_325 = vector.broadcast %parallel_loop3A_324 : f32 to vector<16xf32>
        %parallel_loop3A_326 = arith.mulf %parallel_loop3A_323, %parallel_loop3A_325 : vector<16xf32>
        %parallel_loop3A_327 = arith.constant 3 : i32
        %parallel_loop3A_328 = arith.addi %parallel_loop3A_176, %parallel_loop3A_327 : i32
        %parallel_loop3A_329 = arith.constant 1 : i32
        %parallel_loop3A_330 = arith.index_cast %parallel_loop3A_329 : i32 to index
        %parallel_loop3A_331 = arith.index_cast %parallel_loop3A_328 : i32 to index
        %parallel_loop3A_332 = arith.constant 48 : index
        %parallel_loop3A_333 = tpu.vector_load %arg6[%parallel_loop3A_330, %parallel_loop3A_331, %parallel_loop3A_332] {strides = array<i32>} : memref<2x512x64xf32, #tpu.memory_space<vmem>>, vector<16xf32>,
        %parallel_loop3A_334 = arith.constant 8.000000e+00 : f32
        %parallel_loop3A_335 = vector.broadcast %parallel_loop3A_334 : f32 to vector<16xf32>
        %parallel_loop3A_336 = arith.mulf %parallel_loop3A_333, %parallel_loop3A_335 : vector<16xf32>
        %parallel_loop3A_337 = arith.constant 0 : i32
        %parallel_loop3A_338 = vector.broadcast %parallel_loop3A_337 : i32 to vector<16xi32>
        %parallel_loop3A_339 = arith.constant 0 : i32
        %parallel_loop3A_340 = arith.addi %parallel_loop3A_176, %parallel_loop3A_339 : i32
        %parallel_loop3A_341 = vector.broadcast %parallel_loop3A_340 : i32 to vector<16xi32>
        %parallel_loop3A_342 = arith.addi %parallel_loop3A_338, %parallel_loop3A_341 : vector<16xi32>
        %parallel_loop3A_343 = arith.constant 0 : i32
        %parallel_loop3A_344 = vector.broadcast %parallel_loop3A_343 : i32 to vector<16xi32>
        %parallel_loop3A_345 = arith.addi %iota3A, %parallel_loop3A_344 : vector<16xi32>
        tpu.vector_store_idx %arg7[%parallel_loop3A_345, %parallel_loop3A_342], %parallel_loop3A_186 : memref<64x527xf32, #tpu.memory_space<vmem>>[vector<16xi32>, vector<16xi32>], vector<16xf32>,
        %parallel_loop3A_346 = arith.constant 16 : i32
        %parallel_loop3A_347 = vector.broadcast %parallel_loop3A_346 : i32 to vector<16xi32>
        %parallel_loop3A_348 = arith.addi %iota3A, %parallel_loop3A_347 : vector<16xi32>
        tpu.vector_store_idx %arg7[%parallel_loop3A_348, %parallel_loop3A_342], %parallel_loop3A_196 : memref<64x527xf32, #tpu.memory_space<vmem>>[vector<16xi32>, vector<16xi32>], vector<16xf32>,
        %parallel_loop3A_349 = arith.constant 32 : i32
        %parallel_loop3A_350 = vector.broadcast %parallel_loop3A_349 : i32 to vector<16xi32>
        %parallel_loop3A_351 = arith.addi %iota3A, %parallel_loop3A_350 : vector<16xi32>
        tpu.vector_store_idx %arg7[%parallel_loop3A_351, %parallel_loop3A_342], %parallel_loop3A_206 : memref<64x527xf32, #tpu.memory_space<vmem>>[vector<16xi32>, vector<16xi32>], vector<16xf32>,
        %parallel_loop3A_352 = arith.constant 48 : i32
        %parallel_loop3A_353 = vector.broadcast %parallel_loop3A_352 : i32 to vector<16xi32>
        %parallel_loop3A_354 = arith.addi %iota3A, %parallel_loop3A_353 : vector<16xi32>
        tpu.vector_store_idx %arg7[%parallel_loop3A_354, %parallel_loop3A_342], %parallel_loop3A_216 : memref<64x527xf32, #tpu.memory_space<vmem>>[vector<16xi32>, vector<16xi32>], vector<16xf32>,
        %parallel_loop3A_355 = arith.constant 0 : i32
        %parallel_loop3A_356 = vector.broadcast %parallel_loop3A_355 : i32 to vector<16xi32>
        %parallel_loop3A_357 = arith.constant 1 : i32
        %parallel_loop3A_358 = arith.addi %parallel_loop3A_176, %parallel_loop3A_357 : i32
        %parallel_loop3A_359 = vector.broadcast %parallel_loop3A_358 : i32 to vector<16xi32>
        %parallel_loop3A_360 = arith.addi %parallel_loop3A_356, %parallel_loop3A_359 : vector<16xi32>
        %parallel_loop3A_361 = arith.constant 0 : i32
        %parallel_loop3A_362 = vector.broadcast %parallel_loop3A_361 : i32 to vector<16xi32>
        %parallel_loop3A_363 = arith.addi %iota3A, %parallel_loop3A_362 : vector<16xi32>
        tpu.vector_store_idx %arg7[%parallel_loop3A_363, %parallel_loop3A_360], %parallel_loop3A_226 : memref<64x527xf32, #tpu.memory_space<vmem>>[vector<16xi32>, vector<16xi32>], vector<16xf32>,
        %parallel_loop3A_364 = arith.constant 16 : i32
        %parallel_loop3A_365 = vector.broadcast %parallel_loop3A_364 : i32 to vector<16xi32>
        %parallel_loop3A_366 = arith.addi %iota3A, %parallel_loop3A_365 : vector<16xi32>
        tpu.vector_store_idx %arg7[%parallel_loop3A_366, %parallel_loop3A_360], %parallel_loop3A_236 : memref<64x527xf32, #tpu.memory_space<vmem>>[vector<16xi32>, vector<16xi32>], vector<16xf32>,
        %parallel_loop3A_367 = arith.constant 32 : i32
        %parallel_loop3A_368 = vector.broadcast %parallel_loop3A_367 : i32 to vector<16xi32>
        %parallel_loop3A_369 = arith.addi %iota3A, %parallel_loop3A_368 : vector<16xi32>
        tpu.vector_store_idx %arg7[%parallel_loop3A_369, %parallel_loop3A_360], %parallel_loop3A_246 : memref<64x527xf32, #tpu.memory_space<vmem>>[vector<16xi32>, vector<16xi32>], vector<16xf32>,
        %parallel_loop3A_370 = arith.constant 48 : i32
        %parallel_loop3A_371 = vector.broadcast %parallel_loop3A_370 : i32 to vector<16xi32>
        %parallel_loop3A_372 = arith.addi %iota3A, %parallel_loop3A_371 : vector<16xi32>
        tpu.vector_store_idx %arg7[%parallel_loop3A_372, %parallel_loop3A_360], %parallel_loop3A_256 : memref<64x527xf32, #tpu.memory_space<vmem>>[vector<16xi32>, vector<16xi32>], vector<16xf32>,
        %parallel_loop3A_373 = arith.constant 0 : i32
        %parallel_loop3A_374 = vector.broadcast %parallel_loop3A_373 : i32 to vector<16xi32>
        %parallel_loop3A_375 = arith.constant 2 : i32
        %parallel_loop3A_376 = arith.addi %parallel_loop3A_176, %parallel_loop3A_375 : i32
        %parallel_loop3A_377 = vector.broadcast %parallel_loop3A_376 : i32 to vector<16xi32>
        %parallel_loop3A_378 = arith.addi %parallel_loop3A_374, %parallel_loop3A_377 : vector<16xi32>
        %parallel_loop3A_379 = arith.constant 0 : i32
        %parallel_loop3A_380 = vector.broadcast %parallel_loop3A_379 : i32 to vector<16xi32>
        %parallel_loop3A_381 = arith.addi %iota3A, %parallel_loop3A_380 : vector<16xi32>
        tpu.vector_store_idx %arg7[%parallel_loop3A_381, %parallel_loop3A_378], %parallel_loop3A_266 : memref<64x527xf32, #tpu.memory_space<vmem>>[vector<16xi32>, vector<16xi32>], vector<16xf32>,
        %parallel_loop3A_382 = arith.constant 16 : i32
        %parallel_loop3A_383 = vector.broadcast %parallel_loop3A_382 : i32 to vector<16xi32>
        %parallel_loop3A_384 = arith.addi %iota3A, %parallel_loop3A_383 : vector<16xi32>
        tpu.vector_store_idx %arg7[%parallel_loop3A_384, %parallel_loop3A_378], %parallel_loop3A_276 : memref<64x527xf32, #tpu.memory_space<vmem>>[vector<16xi32>, vector<16xi32>], vector<16xf32>,
        %parallel_loop3A_385 = arith.constant 32 : i32
        %parallel_loop3A_386 = vector.broadcast %parallel_loop3A_385 : i32 to vector<16xi32>
        %parallel_loop3A_387 = arith.addi %iota3A, %parallel_loop3A_386 : vector<16xi32>
        tpu.vector_store_idx %arg7[%parallel_loop3A_387, %parallel_loop3A_378], %parallel_loop3A_286 : memref<64x527xf32, #tpu.memory_space<vmem>>[vector<16xi32>, vector<16xi32>], vector<16xf32>,
        %parallel_loop3A_388 = arith.constant 48 : i32
        %parallel_loop3A_389 = vector.broadcast %parallel_loop3A_388 : i32 to vector<16xi32>
        %parallel_loop3A_390 = arith.addi %iota3A, %parallel_loop3A_389 : vector<16xi32>
        tpu.vector_store_idx %arg7[%parallel_loop3A_390, %parallel_loop3A_378], %parallel_loop3A_296 : memref<64x527xf32, #tpu.memory_space<vmem>>[vector<16xi32>, vector<16xi32>], vector<16xf32>,
        %parallel_loop3A_391 = arith.constant 0 : i32
        %parallel_loop3A_392 = vector.broadcast %parallel_loop3A_391 : i32 to vector<16xi32>
        %parallel_loop3A_393 = arith.constant 3 : i32
        %parallel_loop3A_394 = arith.addi %parallel_loop3A_176, %parallel_loop3A_393 : i32
        %parallel_loop3A_395 = vector.broadcast %parallel_loop3A_394 : i32 to vector<16xi32>
        %parallel_loop3A_396 = arith.addi %parallel_loop3A_392, %parallel_loop3A_395 : vector<16xi32>
        %parallel_loop3A_397 = arith.constant 0 : i32
        %parallel_loop3A_398 = vector.broadcast %parallel_loop3A_397 : i32 to vector<16xi32>
        %parallel_loop3A_399 = arith.addi %iota3A, %parallel_loop3A_398 : vector<16xi32>
        tpu.vector_store_idx %arg7[%parallel_loop3A_399, %parallel_loop3A_396], %parallel_loop3A_306 : memref<64x527xf32, #tpu.memory_space<vmem>>[vector<16xi32>, vector<16xi32>], vector<16xf32>,
        %parallel_loop3A_400 = arith.constant 16 : i32
        %parallel_loop3A_401 = vector.broadcast %parallel_loop3A_400 : i32 to vector<16xi32>
        %parallel_loop3A_402 = arith.addi %iota3A, %parallel_loop3A_401 : vector<16xi32>
        tpu.vector_store_idx %arg7[%parallel_loop3A_402, %parallel_loop3A_396], %parallel_loop3A_316 : memref<64x527xf32, #tpu.memory_space<vmem>>[vector<16xi32>, vector<16xi32>], vector<16xf32>,
        %parallel_loop3A_403 = arith.constant 32 : i32
        %parallel_loop3A_404 = vector.broadcast %parallel_loop3A_403 : i32 to vector<16xi32>
        %parallel_loop3A_405 = arith.addi %iota3A, %parallel_loop3A_404 : vector<16xi32>
        tpu.vector_store_idx %arg7[%parallel_loop3A_405, %parallel_loop3A_396], %parallel_loop3A_326 : memref<64x527xf32, #tpu.memory_space<vmem>>[vector<16xi32>, vector<16xi32>], vector<16xf32>,
        %parallel_loop3A_406 = arith.constant 48 : i32
        %parallel_loop3A_407 = vector.broadcast %parallel_loop3A_406 : i32 to vector<16xi32>
        %parallel_loop3A_408 = arith.addi %iota3A, %parallel_loop3A_407 : vector<16xi32>
        tpu.vector_store_idx %arg7[%parallel_loop3A_408, %parallel_loop3A_396], %parallel_loop3A_336 : memref<64x527xf32, #tpu.memory_space<vmem>>[vector<16xi32>, vector<16xi32>], vector<16xf32>,
      } {sc.loop_unroll_factor = 2 : i64, sc.parallel_access}
      "tpu.region"() ({
        %run_scoped3A_176 = tpu.sem_alloc : memref<!tpu.dma_semaphore, #tpu.memory_space<semaphore_mem>>
        %dma_start3A_177 = arith.constant 0 : i32
        %dma_start3A_178 = arith.constant 0 : i32
        %dma_start3A_179 = tpu.memref_slice %arg7[%dma_start3A_177, %dma_start3A_178] : memref<64x527xf32, #tpu.memory_space<vmem>> -> memref<64x512xf32, #tpu.memory_space<vmem>>
        %dma_start3A_180 = arith.constant 0 : i32
        %dma_start3A_181 = tpu.memref_slice %arg4[%add3A_117, %dma_start3A_180, %mul3A_2] : memref<200x64x16384xf32, #tpu.memory_space<hbm>> -> memref<1x64x512xf32, #tpu.memory_space<hbm>>
        %dma_start3A_182 = tpu.memref_squeeze %dma_start3A_181 : memref<1x64x512xf32, #tpu.memory_space<hbm>> -> memref<64x512xf32, #tpu.memory_space<hbm>>
        %dma_start3A_183 = arith.constant 0 : i32
        %dma_start3A_184 = tpu.memref_slice %arg4[%add3A_117, %dma_start3A_183, %mul3A_2] : memref<200x64x16384xf32, #tpu.memory_space<hbm>> -> memref<1x64x512xf32, #tpu.memory_space<hbm>>
        %dma_start3A_185 = tpu.memref_squeeze %dma_start3A_184 : memref<1x64x512xf32, #tpu.memory_space<hbm>> -> memref<64x512xf32, #tpu.memory_space<hbm>>
        %dma_start3A_186 = arith.constant 0 : i32
        %dma_start3A_187 = arith.constant 0 : i32
        %dma_start3A_188 = tpu.memref_slice %arg7[%dma_start3A_186, %dma_start3A_187] : memref<64x527xf32, #tpu.memory_space<vmem>> -> memref<64x512xf32, #tpu.memory_space<vmem>>
        tpu.enqueue_dma source(%dma_start3A_188 : memref<64x512xf32, #tpu.memory_space<vmem>>) target(%dma_start3A_185 : memref<64x512xf32, #tpu.memory_space<hbm>>) target_semaphore(%run_scoped3A_176 : memref<!tpu.dma_semaphore, #tpu.memory_space<semaphore_mem>>)
        %dma_wait3A_189 = arith.constant 0 : i32
        %dma_wait3A_190 = arith.constant 0 : i32
        %dma_wait3A_191 = tpu.memref_slice %arg7[%dma_wait3A_189, %dma_wait3A_190] : memref<64x527xf32, #tpu.memory_space<vmem>> -> memref<64x512xf32, #tpu.memory_space<vmem>>
        %dma_wait3A_192 = arith.constant 0 : i32
        %dma_wait3A_193 = tpu.memref_slice %arg4[%add3A_117, %dma_wait3A_192, %mul3A_2] : memref<200x64x16384xf32, #tpu.memory_space<hbm>> -> memref<1x64x512xf32, #tpu.memory_space<hbm>>
        %dma_wait3A_194 = tpu.memref_squeeze %dma_wait3A_193 : memref<1x64x512xf32, #tpu.memory_space<hbm>> -> memref<64x512xf32, #tpu.memory_space<hbm>>
        %dma_wait3A_195 = arith.constant 0 : i32
        %dma_wait3A_196 = tpu.memref_slice %arg4[%add3A_117, %dma_wait3A_195, %mul3A_2] : memref<200x64x16384xf32, #tpu.memory_space<hbm>> -> memref<1x64x512xf32, #tpu.memory_space<hbm>>
        %dma_wait3A_197 = tpu.memref_squeeze %dma_wait3A_196 : memref<1x64x512xf32, #tpu.memory_space<hbm>> -> memref<64x512xf32, #tpu.memory_space<hbm>>
        %dma_wait3A_198 = arith.constant 0 : i32
        %dma_wait3A_199 = arith.constant 0 : i32
        %dma_wait3A_200 = tpu.memref_slice %arg7[%dma_wait3A_198, %dma_wait3A_199] : memref<64x527xf32, #tpu.memory_space<vmem>> -> memref<64x512xf32, #tpu.memory_space<vmem>>
        tpu.wait_dma2 semaphore(%run_scoped3A_176 : memref<!tpu.dma_semaphore, #tpu.memory_space<semaphore_mem>>) src(%dma_wait3A_200 : memref<64x512xf32, #tpu.memory_space<vmem>>) dst(%dma_wait3A_197 : memref<64x512xf32, #tpu.memory_space<hbm>>)
        tpu.yield
      }) : () -> ()
    }
    %scan3A_55 = arith.constant 100 : i32
    return
  }
}

</mosaic_0001>

<sc_bundles>
// kernel: _emb_lookup.3.cloned.1.call-start
scs
__scs_entry_jumppad:
0x0: {  	(pc) =	sbr.rel $0x88, $3  }
0x1: {  	(tag) =	ssettag $0x0;
	lr =	simm.s32 $0x1  }
0x2: {  	[smem:$0x3F9F] =	sst lr;
	_ =	strace $0xD0000000  }
0x3: {  	_ = 	snop  }
0x4: {  	_ = 	snop  }
0x5: {  	_ = 	snop  }
0x6: {  	_ = 	snop  }
0x7: {  	_ = 	snop  }
__scs_overlays_trampoline_lowered:
0x8: {  	[smem:$0x3FAE] =	sst s0  }
0x9: {  	[smem:$0x3FAF] =	sst s1  }
0xa: {  	[smem:$0x3FB0] =	sst s2  }
0xb: {  	[smem:$0x3FB1] =	sst s3  }
0xc: {  	[smem:$0x3FB2] =	sst s4  }
0xd: {  	[smem:$0x3FB3] =	sst s5  }
0xe: {  	[smem:$0x3FB4] =	sst s6  }
0xf: {  	[smem:$0x3FB5] =	sst s7  }
0x10: {  	[smem:$0x3FB6] =	sst s8  }
0x11: {  	[smem:$0x3FB7] =	sst s9;
	s0 =	simm.s32 @!p0 $0x0  }
0x12: {  	s1 =	sld [smem:$0x3F9D];
	s0 =	simm.s32 @p0 $0x1  }
0x13: {  	[smem:$0x3FB8] =	sst s0;
	s0 =	simm.s32 @!p1 $0x0  }
0x14: {  	s2 =	sld [smem:$0x3F9C];
	s0 =	simm.s32 @p1 $0x1  }
0x15: {  	[smem:$0x3FB9] =	sst s0;
	s0 =	simm.s32 @!p2 $0x0  }
0x16: {  	s3 =	sld [smem:$0x3FDB];
	s0 =	simm.s32 @p2 $0x1  }
0x17: {  	s4 =	simm.s32 $0x1BF5;
	[smem:$0x3FBB] =	sst s0  }
0x18: {  	s0 =	sld [smem:$0x3F9E];
	_ =	swait.ge [sflag:s4], $0x0  }
0x19: {  	s7 =	sld [smem:$0x3F9F]  }
0x1a: {  	s8 =	sadd.s32 $0xFFFFE003, lr  }
0x1b: {  	s9 =	sadd.s32 $0xFFFFFEF7, lr;
	s5 =	simm.s32 $0xFFFFFFFF;
	p2 =	slt.u32 s8, $0xFFFFF086  }
0x1c: {  	p1 =	slt.u32 s9, $0xF7A;
	s5 =	simm.s32 @!p2 $0x0  }
0x1d: {  	s5 =	simm.s32 @p1 $0x1;
	p0 =	seq.s32 s7, s2  }
0x1e: {  	s7 =	smul.u32 @!p0 $0xF7A, s2;
	p2 =	seq.s32 @!p0 s5, $0x0  }
0x1f: {  	s9 =	smul.u32 $0xF7A, s1;
	s8 =	simm.s32 @!p0 $0x1BF5;
	p2 =	por !p2, p0  }
0x20: {  	[sflag:s8] =	ssyncset.s32 @!p0 $0xFFFFF086;
	s6 =	sadd.s32 @!p0 s3, s7;
	s7 =	simm.s32 @!p0 $0x108  }
0x21: {  	s3 =	sadd.s32 s3, s9;
	s6 =	sadd.s32 @!p0 $0x88, s6;
	s7 =	simm.s32 @p2 $0x1082  }
0x22: {  	[simem:s7], [sflag:s8] =	dma.local @!p0 [hbm:s6], $0xF7A  }
0x23: {  	s9 =	sor.u32 $0xD0000000, s2;
	s6 =	simm.s32 $0x108;
	_ =	swait.ge @!p0 [sflag:s8], $0x0  }
0x24: {  	s3 =	sadd.s32 $0x88, s3;
	s6 =	simm.s32 @!p1 $0x1082;
	[sflag:s4] =	ssyncset.s32 $0xFFFFF086  }
0x25: {  	[simem:s6], [sflag:s4] =	dma.local [hbm:s3], $0xF7A  }
0x26: {  	[smem:$0x3F9F] =	sst s1;
	(tag) =	ssettag s2;
	_ =	strace s9  }
0x27: {  	s1 =	sld [smem:$0x3FAF]  }
0x28: {  	s2 =	sld [smem:$0x3FB0]  }
0x29: {  	s4 =	sld [smem:$0x3FB2]  }
0x2a: {  	p0 =	seq.s32 s5, $0x0;
	s5 =	sld [smem:$0x3FB3]  }
0x2b: {  	s6 =	sld [smem:$0x3FB4]  }
0x2c: {  	s7 =	sld [smem:$0x3FB5]  }
0x2d: {  	s3 =	simm.s32 $0x108;
	s8 =	sld [smem:$0x3FB6]  }
0x2e: {  	s3 =	simm.s32 @!p0 $0x1082;
	s9 =	sld [smem:$0x3FB7]  }
0x2f: {  	lr =	sadd.s32 s0, s3;
	s0 =	sld [smem:$0x3FAE]  }
0x30: {  	s3 =	sld [smem:$0x3FB1]  }
0x31: {  	[smem:$0x3FBA] =	sst s10  }
0x32: {  	s10 =	sld [smem:$0x3FB8];
	_ =	sdelay $0x3  }
0x33: {  	p0 =	seq.s32 s10, $0x1;
	s10 =	sld [smem:$0x3FBA];
	_ =	sdelay $0x3  }
0x34: {  	[smem:$0x3FBA] =	sst s10  }
0x35: {  	s10 =	sld [smem:$0x3FB9];
	_ =	sdelay $0x3  }
0x36: {  	p1 =	seq.s32 s10, $0x1;
	s10 =	sld [smem:$0x3FBA];
	_ =	sdelay $0x3  }
0x37: {  	[smem:$0x3FBA] =	sst s10  }
0x38: {  	s10 =	sld [smem:$0x3FBB]  }
0x39: {  	_ = 	snop;
	(pc) =	sbr.ind lr, $3  }
0x3a: {  	_ = 	snop  }
0x3b: {  	_ = 	snop  }
0x3c: {  	p2 =	seq.s32 s10, $0x1;
	s10 =	sld [smem:$0x3FBA]  }
0x3d: {  	_ =	shalt  }
0x3e: {  	_ =	shalt  }
0x3f: {  	_ =	shalt  }
0x40: {  	_ =	shalt  }
0x41: {  	_ =	shalt  }
0x42: {  	_ =	shalt  }
0x43: {  	_ =	shalt  }
0x44: {  	_ =	shalt  }
0x45: {  	_ =	shalt  }
0x46: {  	_ =	shalt  }
0x47: {  	_ =	shalt  }
0x48: {  	_ =	shalt  }
0x49: {  	_ =	shalt  }
0x4a: {  	_ =	shalt  }
0x4b: {  	_ =	shalt  }
0x4c: {  	_ =	shalt  }
0x4d: {  	_ =	shalt  }
0x4e: {  	_ =	shalt  }
0x4f: {  	_ =	shalt  }
0x50: {  	_ =	shalt  }
0x51: {  	_ =	shalt  }
0x52: {  	_ =	shalt  }
0x53: {  	_ =	shalt  }
0x54: {  	_ =	shalt  }
0x55: {  	_ =	shalt  }
0x56: {  	_ =	shalt  }
0x57: {  	_ =	shalt  }
0x58: {  	_ =	shalt  }
0x59: {  	_ =	shalt  }
0x5a: {  	_ =	shalt  }
0x5b: {  	_ =	shalt  }
0x5c: {  	_ =	shalt  }
0x5d: {  	_ =	shalt  }
0x5e: {  	_ =	shalt  }
0x5f: {  	_ =	shalt  }
0x60: {  	_ =	shalt  }
0x61: {  	_ =	shalt  }
0x62: {  	_ =	shalt  }
0x63: {  	_ =	shalt  }
0x64: {  	_ =	shalt  }
0x65: {  	_ =	shalt  }
0x66: {  	_ =	shalt  }
0x67: {  	_ =	shalt  }
0x68: {  	_ =	shalt  }
0x69: {  	_ =	shalt  }
0x6a: {  	_ =	shalt  }
0x6b: {  	_ =	shalt  }
0x6c: {  	_ =	shalt  }
0x6d: {  	_ =	shalt  }
0x6e: {  	_ =	shalt  }
0x6f: {  	_ =	shalt  }
0x70: {  	_ =	shalt  }
0x71: {  	_ =	shalt  }
0x72: {  	_ =	shalt  }
0x73: {  	_ =	shalt  }
0x74: {  	_ =	shalt  }
0x75: {  	_ =	shalt  }
0x76: {  	_ =	shalt  }
0x77: {  	_ =	shalt  }
0x78: {  	_ =	shalt  }
0x79: {  	_ =	shalt  }
0x7a: {  	_ =	shalt  }
0x7b: {  	_ =	shalt  }
0x7c: {  	_ =	shalt  }
0x7d: {  	_ =	shalt  }
0x7e: {  	_ =	shalt  }
0x7f: {  	_ =	shalt  }
0x80: {  	_ =	shalt  }
0x81: {  	_ =	shalt  }
0x82: {  	_ =	shalt  }
0x83: {  	_ =	shalt  }
0x84: {  	_ =	shalt  }
0x85: {  	_ =	shalt  }
0x86: {  	_ =	shalt  }
0x87: {  	_ =	shalt  }
.Lfunc_end0:
.L_simem_size_0:
called_computation_lowered:
.L_overlay_start_0:
0x88: {  	s2 =	sld [smem:$0x3FD9]  }
0x89: {  	s3 =	sld [smem:$0x3FFE];
	_ =	sdelay $0x1  }
0x8a: {  	s1 =	srdreg.scid  }
0x8b: {  	s0 =	sand.u32 $0x1, s1  }
0x8c: {  	s16 =	sshll.u32 s0, $0xA;
	s2 =	sadd.s32 s3, s2  }
0x8d: {  	s2 =	sadd.s32 s2, s16  }
0x8e: {  	[smem:$0x3FC6] =	sst s2  }
0x8f: {  	_ = 	snop  }
0x90: {  	(tm) =	ssettm $0x1  }
0x91: {  	s17 =	sld [smem:$0x3FFB];
	_ =	sdelay $0x3  }
0x92: {  	_ =	strace s17  }
0x93: {  	s2 =	sld [smem:$0x3FFC];
	_ =	sdelay $0x3  }
0x94: {  	_ =	strace s2  }
0x95: {  	s2 =	sld [smem:$0x3FFD];
	_ =	sdelay $0x3  }
0x96: {  	_ =	strace s2  }
0x97: {  	_ =	strace $0x8FFFFFFF  }
0x98: {  	s18 =	sld [smem:$0x3FDB];
	_ =	sdelay $0x1  }
0x99: {  	s19 =	simm.s32 $_scs_section_size  }
0x9a: {  	s4 =	simm.s32 $_size__tile_overlayer_lowered;
	s5 =	simm.s32 $_tile_overlayer_lowered  }
0x9b: {  	s22 =	simm.s32 $0x1BFF;
	s21 =	sshll.u32 s5, $0x1;
	s2 =	sadd.s32 s19, s18  }
0x9c: {  	s6 =	simm.s32 $0x0;
	s20 =	sshll.u32 s4, $0x1;
	s4 =	sadd.s32 s21, s2  }
0x9d: {  	[timem:s6], [sflag:s22] =	dma.local [hbm:s4], s20  }
0x9e: {  	_ =	swait.ge [sflag:s22], s20  }
0x9f: {  	s3 =	ssub.s32 $0x0, s20;
	[sflag:s22] =	ssyncset.done $0x0  }
0xa0: {  	[sflag:s22] =	ssyncadd.s32 s3;
	_ =	sdelay $0x1  }
0xa1: {  	s23 =	simm.s32 $0x1B8B  }
0xa2: {  	_ =	swait.ge [sflag:s23], $0x1  }
0xa3: {  	[sflag:s23] =	ssyncset.done $0x0  }
0xa4: {  	s25 =	simm.s32 $0x1B8E;
	s24 =	sld [smem:$0x3FFE];
	[sflag:s23] =	ssyncadd.s32 $0xFFFFFFFF  }
0xa5: {  	s26 =	simm.s32 $execute0_lowered;
	[smem:$0x3FD2] =	sst s25  }
0xa6: {  	s4 =	sshll.u32 s26, $0x1;
	_ =	strace $0x80000046;
	[dreg:$0x1] =	wrdreg $0xFFFFFFFF  }
0xa7: {  	s28 =	simm.s32 $_size_execute0_lowered;
	s2 =	sadd.s32 s2, s4;
	[dreg:$0x0] =	wrdreg $0x0  }
0xa8: {  	s4 =	sshll.u32 s28, $0x1;
	[dreg:$0x2] =	wrdreg s2  }
0xa9: {  	[dreg:$0x3] =	wrdreg s4  }
0xaa: {  	[dreg:$0x4] =	wrdreg $0xC0  }
0xab: {  	_ =	task [dreg:s6], $0x5FFFF  }
0xac: {  	[dreg:$0x1] =	wrdreg $0xFFFFFFFF  }
0xad: {  	[dreg:$0x0] =	wrdreg $0x60  }
0xae: {  	[dreg:$0x2] =	wrdreg s24  }
0xaf: {  	[dreg:$0x3] =	wrdreg $0x9  }
0xb0: {  	_ =	task.clear_ibuf [dreg:s6], $0x4FFFF;
	_ =	strace $0x90000046  }
0xb1: {  	s29 =	simm.s32 $0x9;
	_ =	strace $0x80000048  }
0xb2: {  	_ =	swait.ge [sflag:s29], $0x1  }
0xb3: {  	[sflag:s29] =	ssyncadd.s32 $0xFFFFFFFF  }
0xb4: {  	_ =	strace $0x90000048  }
0xb5: {  	_ =	sfence  }
0xb6: {  	s30 =	sld [smem:$0x0];
	_ =	sdelay $0x2  }
0xb7: {  	s31 =	sshll.u32 s1, $0xD;
	s1 =	sshrl.u32 s1, $0x2  }
0xb8: {  	s3 =	sand.u32 $0x4000, s31;
	s1 =	sadd.s32 s1, s30  }
0xb9: {  	s0 =	sor.u32 s3, s0;
	s1 =	sshll.u32 s1, $0x11  }
0xba: {  	s0 =	sor.u32 s1, s0  }
0xbb: {  	s0 =	sadd.s32 $0x8F2B, s0  }
0xbc: {  	[sflag:s0] =	ssyncadd.remote.s32 $0x1  }
0xbd: {  	_ =	sfence.sel $0xFFFF  }
0xbe: {  	[dreg:$0x0] =	wrdreg $0xFFFFFFFF;
	(pc) =	sbr.abs _section_cstart, $3  }
0xbf: {  	[dreg:$0x1] =	wrdreg $0xFFFFFFFF  }
0xc0: {  	_ =	task.clear_ibuf [dreg:s6], $0x2FFFF;
	_ =	strace $0x9FFFFFFF  }
0xc1: {  	(tm) =	ssettm $0x7FFFFFFF  }
tec
execute0_lowered:
.L_overlay_start_1:
0x0: {  	(tag) =	ssettag $0x1  }
0x1: {  	v0 =	vlaneseq.u32  }
0x2: {  	v3 =	vmul.u32 $0x210, v0  }
0x3: {  	s1 =	simm.s32 $0x0;
	vm0 =	vcmask $0x300;
	v0 =	vimm.s32 $0x0  }
0x4: {  	[smem:$0x7FF] =	sst s1;
	v1 =	vsel vm0, $0x3, v0;
	v0 =	vor.u32 $0x7, v3  }
0x5: {  	s0 =	rddreg [dreg:$0x0];
	_ =	strace $0x80000047;
	v17 =	vadd.s32 $0x2102, v3;
	[tilespmem:$0x1FE90] =	vst v0  }
0x6: {  	v21 =	vadd.s32 $0x6302, v3;
	[tilespmem:$0x1FED0] =	vst v17  }
0x7: {  	v8 =	vadd.s32 $0x2103, v3;
	[tilespmem:$0x1FEE0] =	vst v21  }
0x8: {  	v2 =	vadd.s32 $0x6303, v3;
	[tilespmem:$0x1FEF0] =	vst v8  }
0x9: {  	v9 =	vadd.s32 $0x4202, v3;
	[tilespmem:$0x1FF00] =	vst v2  }
0xa: {  	v10 =	vor.u32 $0x3, v3;
	[tilespmem:$0x1FF10] =	vst v9  }
0xb: {  	v7 =	vadd.s32 $0x4203, v3;
	[tilespmem:$0x1FF20] =	vst v10  }
0xc: {  	v11 =	vor.u32 $0x1, v3;
	[tilespmem:$0x1FF30] =	vst v7  }
0xd: {  	v16 =	vadd.s32 $0x2106, v3;
	[tilespmem:$0x1FF40] =	vst v11  }
0xe: {  	v18 =	vor.u32 $0x6, v3;
	[tilespmem:$0x1FF50] =	vst v16  }
0xf: {  	v20 =	vor.u32 $0x2, v3;
	[tilespmem:$0x1FF60] =	vst v18  }
0x10: {  	v26 =	vadd.s32 $0x6305, v3;
	[tilespmem:$0x1FF70] =	vst v20  }
0x11: {  	s2 =	srdreg.scid;
	s4 =	stileid.u32;
	v29 =	vadd.s32 $0x4204, v3;
	[tilespmem:$0x1FF80] =	vst v26  }
0x12: {  	s10 =	simm.s32 $0x3;
	s11 =	simm.s32 $0x80;
	s16 =	simm.s32 $0x180;
	v23 =	vadd.s32 $0x4205, v3;
	[tilespmem:$0x1FF90] =	vst v29  }
0x13: {  	s17 =	simm.s32 $0x6400;
	s18 =	simm.s32 $0x200;
	s19 =	simm.s32 $0x8400;
	v22 =	vadd.s32 $0x6304, v3;
	[tilespmem:$0x1FFA0] =	vst v23  }
0x14: {  	s20 =	simm.s32 $0x280;
	s21 =	simm.s32 $0xA400;
	s22 =	simm.s32 $0x300;
	v25 =	vadd.s32 $0x2105, v3;
	[tilespmem:$0x1FFB0] =	vst v22  }
0x15: {  	s23 =	simm.s32 $0xC400;
	s24 =	simm.s32 $0x380;
	s25 =	simm.s32 $0xE400;
	v24 =	vor.u32 $0x5, v3;
	[tilespmem:$0x1FFC0] =	vst v25  }
0x16: {  	s26 =	simm.s32 $0x1;
	s28 =	simm.s32 $0x10400;
	s29 =	simm.s32 $0x2;
	v5 =	vadd.s32 $0x6306, v3;
	[tilespmem:$0x1FFD0] =	vst v24  }
0x17: {  	s30 =	simm.s32 $0x0;
	s2 =	sand.u32 $0x1, s2;
	s3 =	sadd.s32 $0x400, s0;
	v13 =	vadd.s32 $0x6301, v3;
	[tilespmem:$0x1FFE0] =	vst v5  }
0x18: {  	s5 =	sshll.u32 s4, $0xA;
	s6 =	sshll.u32 s2, $0x9;
	s2 =	ssub.s32 $0x2, s2;
	v15 =	vadd.s32 $0x2100, v3;
	v0 =	vadd.s32 $0x2107, v3;
	[tilespmem:$0x1FFF0] =	vst v13  }
0x19: {  	s4 =	sadd.s32 $0x64400, s0;
	s5 =	sor.u32 s6, s5;
	v4 =	vadd.s32 $0x4200, v3;
	v12 =	vadd.s32 $0x6300, v3;
	s31 =	sshrl.u32 s2, $0x1;
	[tilespmem:$0x1FEA0] =	vst v0;
	v0 =	vadd.s32 $0x4207, v3  }
0x1a: {  	s6 =	sadd.s32 $0x805600, s0;
	v14 =	vadd.s32 $0x2101, v3;
	v32 =	vadd.s32 $0x4201, v3;
	s7 =	sshrl.u32 s5, $0x3;
	s0 =	ssub.s32 s2, s31;
	[tilespmem:$0x1FEB0] =	vst v0;
	v0 =	vadd.s32 $0x6307, v3  }
0x1b: {  	v31 =	vor.u32 $0x4, v3;
	v30 =	vadd.s32 $0x2104, v3;
	v6 =	vadd.s32 $0x4206, v3;
	s8 =	sor.u32 $0x8000, s5;
	s7 =	sadd.s32 s3, s7;
	s9 =	smax.u32 s0, $0x1;
	[tilespmem:$0x1FEC0] =	vst v0  }
.LBB2_1:
0x1c: {  	[tilespmem:s1], [sflag:$0x3] =	stream.linear.gather [hbm4b:s7+s1], $0x200, $0x38;
	[tilespmem:$0x18800] =	vst v63  }
0x1d: {  	_ =	swait.ge [sflag:s10], $0x200  }
0x1e: {  	[sflag:s10] =	ssyncset.done $0x0  }
0x1f: {  	s0 =	simm.s32 $0x400;
	[sflag:s10] =	ssyncadd.s32 $0xFFFFFE00  }
0x20: {  	[tilespmem:s0], [sflag:$0x1] =	stream.indirect.gather [hbm4b:s4+s11], $0x40, s1, s11, $0xb8;
	[tilespmem:$0x18800] =	vst v63  }
0x21: {  	s14 =	simm.s32 $0x2400  }
0x22: {  	[tilespmem:s14], [sflag:$0x1] =	stream.indirect.gather [hbm4b:s4+s11], $0x40, s11, s11, $0xb8;
	[tilespmem:$0x18800] =	vst v63  }
0x23: {  	s15 =	simm.s32 $0x100;
	s2 =	simm.s32 $0x4400  }
0x24: {  	[tilespmem:s2], [sflag:$0x1] =	stream.indirect.gather [hbm4b:s4+s11], $0x40, s15, s11, $0xb8;
	[tilespmem:$0x18800] =	vst v63  }
0x25: {  	s31 =	simm.s32 $0x0  }
0x26: {  	[tilespmem:s17], [sflag:$0x1] =	stream.indirect.gather [hbm4b:s4+s11], $0x40, s16, s11, $0xb8;
	[tilespmem:$0x18800] =	vst v63  }
.LBB2_2:
0x27: {  	s0 =	sshllo.u32 s31, $0x1  }
0x28: {  	s2 =	sshll.u32 s0, $0xE  }
0x29: {  	s2 =	sor.u32 s5, s2  }
0x2a: {  	s2 =	sshrl.u32 s2, $0x3  }
0x2b: {  	s12 =	simm.s32 $0x0;
	s2 =	sadd.s32 s3, s2  }
0x2c: {  	[tilespmem:s18], [sflag:$0x3] =	stream.linear.gather [hbm4b:s2+s12], $0x200, $0x38;
	[tilespmem:$0x18800] =	vst v63  }
0x2d: {  	_ =	swait.ge [sflag:s10], $0x200  }
0x2e: {  	[sflag:s10] =	ssyncset.done $0x0  }
0x2f: {  	[sflag:s10] =	ssyncadd.s32 $0xFFFFFE00  }
0x30: {  	[tilespmem:s19], [sflag:$0x2] =	stream.indirect.gather [hbm4b:s4+s11], $0x40, s18, s11, $0xb8;
	[tilespmem:$0x18800] =	vst v63  }
0x31: {  	_ = 	snop  }
0x32: {  	[tilespmem:s21], [sflag:$0x2] =	stream.indirect.gather [hbm4b:s4+s11], $0x40, s20, s11, $0xb8;
	[tilespmem:$0x18800] =	vst v63  }
0x33: {  	_ = 	snop  }
0x34: {  	[tilespmem:s23], [sflag:$0x2] =	stream.indirect.gather [hbm4b:s4+s11], $0x40, s22, s11, $0xb8;
	[tilespmem:$0x18800] =	vst v63  }
0x35: {  	_ = 	snop  }
0x36: {  	[tilespmem:s25], [sflag:$0x2] =	stream.indirect.gather [hbm4b:s4+s11], $0x40, s24, s11, $0xb8;
	[tilespmem:$0x18800] =	vst v63  }
0x37: {  	_ =	swait.ge [sflag:s26], $0x2000  }
0x38: {  	[sflag:s26] =	ssyncset.done $0x0  }
0x39: {  	[sflag:s26] =	ssyncadd.s32 $0xFFFFE000  }
0x3a: {  	_ =	swait.ge [sflag:s26], $0x2000  }
0x3b: {  	[sflag:s26] =	ssyncset.done $0x0  }
0x3c: {  	[sflag:s26] =	ssyncadd.s32 $0xFFFFE000  }
0x3d: {  	_ =	swait.ge [sflag:s26], $0x2000  }
0x3e: {  	[sflag:s26] =	ssyncset.done $0x0  }
0x3f: {  	[sflag:s26] =	ssyncadd.s32 $0xFFFFE000  }
0x40: {  	_ =	swait.ge [sflag:s26], $0x2000  }
0x41: {  	[sflag:s26] =	ssyncset.done $0x0  }
0x42: {  	s2 =	simm.s32 $0x500;
	[sflag:s26] =	ssyncadd.s32 $0xFFFFE000  }
0x43: {  	v0 =	vld [tilespmem:s2+$0x0]  }
0x44: {  	v33 =	vld [tilespmem:s2+$0x10]  }
0x45: {  	v34 =	vld [tilespmem:s2+$0x20]  }
0x46: {  	v35 =	vld [tilespmem:s2+$0x30]  }
0x47: {  	v36 =	vld [tilespmem:s2+$0x40]  }
0x48: {  	v37 =	vld [tilespmem:s2+$0x50]  }
0x49: {  	v39 =	vld [tilespmem:s2+$0x60]  }
0x4a: {  	v40 =	vld [tilespmem:s2+$0x70]  }
0x4b: {  	v43 =	vld [tilespmem:s2+$0x80]  }
0x4c: {  	v2 =	vld [tilespmem:s2+$0xE0]  }
0x4d: {  	v44 =	vld [tilespmem:s2+$0x90]  }
0x4e: {  	v47 =	vld [tilespmem:s2+$0xA0]  }
0x4f: {  	v52 =	vld [tilespmem:s2+$0xB0]  }
0x50: {  	v50 =	vld [tilespmem:s2+$0xC0]  }
0x51: {  	v27 =	vld [tilespmem:s2+$0xD0];
	[tilespmem:$0x1FE20] =	vst v2  }
0x52: {  	s13 =	simm.s32 $0x4;
	v2 =	vld [tilespmem:s2+$0xF0]  }
0x53: {  	v41 =	vmov s13  }
0x54: {  	v41 =	vshrl.u32 v41, $0x3  }
0x55: {  	v41 =	vshll.u32 v41, v1  }
0x56: {  	v41 =	vbroadcast v41, $0x0  }
0x57: {  	[tilespmem:$0x1FE30] =	vst v2  }
0x58: {  	v48 =	vadd.s32 v31, v41;
	v54 =	vld [tilespmem:s2+$0xFFFFFF10];
	_ =	sdelay $0x1  }
0x59: {  	s15 =	simm.s32 $0x5;
	v57 =	vld [tilespmem:s2+$0xFFFFFF20]  }
0x5a: {  	v45 =	vmov s15;
	s15 =	simm.s32 $0x7;
	v51 =	vadd.s32 v30, v41;
	v0 =	vmul.f32 $8.000000000e+00, v0;
	v59 =	vld [tilespmem:s2+$0xFFFFFF30]  }
0x5b: {  	v45 =	vshrl.u32 v45, $0x3;
	v62 =	vmov s15;
	v61 =	vld [tilespmem:s2+$0xFFFFFF40]  }
0x5c: {  	v45 =	vshll.u32 v45, v1;
	v53 =	vadd.s32 v29, v41;
	v63 =	vld [tilespmem:s2+$0xFFFFFF50];
	[tilespmem:v48+s28+$0x0] =	vst.idx.msk $0xffff, v0;
	v0 =	vmul.f32 $8.000000000e+00, v54  }
0x5d: {  	v62 =	vshrl.u32 v62, $0x3;
	v45 =	vbroadcast v45, $0x0;
	v33 =	vmul.f32 $8.000000000e+00, v33;
	v38 =	vld [tilespmem:s2+$0xFFFFFF60]  }
0x5e: {  	v46 =	vadd.s32 v22, v41;
	v42 =	vmul.f32 $8.000000000e+00, v40;
	v40 =	vld [tilespmem:s2+$0xFFFFFF70];
	[tilespmem:$0x1FE40] =	vst v0;
	v0 =	vmul.f32 $8.000000000e+00, v57  }
0x5f: {  	v62 =	vshll.u32 v62, v1;
	v56 =	vadd.s32 v24, v45;
	v34 =	vmul.f32 $8.000000000e+00, v34;
	[tilespmem:v51+s28+$0x0] =	vst.idx.msk $0xffff, v33  }
0x60: {  	v48 =	vbroadcast v62, $0x0;
	v62 =	vld [tilespmem:s2+$0xFFFFFF80];
	[tilespmem:$0x1FE50] =	vst v0;
	v0 =	vmul.f32 $8.000000000e+00, v59  }
0x61: {  	v35 =	vmul.f32 $8.000000000e+00, v35;
	[tilespmem:v53+s28+$0x0] =	vst.idx.msk $0xffff, v34  }
0x62: {  	v36 =	vmul.f32 $8.000000000e+00, v36;
	v57 =	vld [tilespmem:s2+$0xFFFFFF90];
	[tilespmem:$0x1FE60] =	vst v0  }
0x63: {  	[tilespmem:v46+s28+$0x0] =	vst.idx.msk $0xffff, v35  }
0x64: {  	v60 =	vadd.s32 v25, v45;
	[tilespmem:v56+s28+$0x0] =	vst.idx.msk $0xffff, v36  }
0x65: {  	v2 =	vadd.s32 v23, v45;
	v0 =	vld [tilespmem:$0x1FE90];
	_ =	sdelay $0x1  }
0x66: {  	v37 =	vmul.f32 $8.000000000e+00, v37  }
0x67: {  	v39 =	vmul.f32 $8.000000000e+00, v39  }
0x68: {  	s14 =	simm.s32 $0x6;
	[tilespmem:v60+s28+$0x0] =	vst.idx.msk $0xffff, v37  }
0x69: {  	v55 =	vmov s14;
	v58 =	vadd.s32 v26, v45;
	v9 =	vmovc v0;
	v56 =	vadd.s32 v0, v48;
	v0 =	vld [tilespmem:$0x1FEA0];
	[tilespmem:v2+s28+$0x0] =	vst.idx.msk $0xffff, v39  }
0x6a: {  	v55 =	vshrl.u32 v55, $0x3;
	v2 =	vld [tilespmem:$0x1FEB0]  }
0x6b: {  	v55 =	vshll.u32 v55, v1  }
0x6c: {  	v55 =	vbroadcast v55, $0x0;
	_ =	sdelay $0x1  }
0x6d: {  	v45 =	vadd.s32 v18, v55;
	[tilespmem:v58+s28+$0x0] =	vst.idx.msk $0xffff, v42  }
0x6e: {  	v19 =	vmov v2;
	v53 =	vadd.s32 v2, v48;
	v2 =	vld [tilespmem:$0x1FE20];
	_ =	sdelay $0x1  }
0x6f: {  	v49 =	vadd.s32 v16, v55;
	v43 =	vmul.f32 $8.000000000e+00, v43;
	v59 =	vld [tilespmem:s2+$0xFFFFFFA0]  }
0x70: {  	v51 =	vadd.s32 v5, v55;
	v34 =	vadd.s32 v6, v55;
	v55 =	vmul.f32 $8.000000000e+00, v61;
	v61 =	vld [tilespmem:s2+$0xFFFFFFB0]  }
0x71: {  	v33 =	vld [tilespmem:s2+$0xFFFFFFC0];
	[tilespmem:v45+s28+$0x0] =	vst.idx.msk $0xffff, v43  }
0x72: {  	v42 =	vmul.f32 $8.000000000e+00, v2;
	v2 =	vld [tilespmem:$0x1FE30]  }
0x73: {  	v41 =	vmul.f32 $8.000000000e+00, v27;
	v27 =	vmul.f32 $8.000000000e+00, v40;
	v40 =	vld [tilespmem:s2+$0xFFFFFFE0]  }
0x74: {  	v44 =	vmul.f32 $8.000000000e+00, v44;
	v54 =	vld [tilespmem:s2+$0xFFFFFF00]  }
0x75: {  	v7 =	vmov v6;
	v6 =	vmul.f32 $8.000000000e+00, v62;
	v62 =	vld [tilespmem:s2+$0xFFFFFFF0]  }
0x76: {  	v46 =	vmul.f32 $8.000000000e+00, v47;
	v47 =	vmul.f32 $8.000000000e+00, v52;
	v8 =	vmovc v0;
	v52 =	vadd.s32 v0, v48;
	v0 =	vld [tilespmem:s2+$0xFFFFFFD0];
	[tilespmem:v49+s28+$0x0] =	vst.idx.msk $0xffff, v44  }
0x77: {  	s2 =	simm.s32 $0x700;
	v43 =	vmul.f32 $8.000000000e+00, v2;
	v2 =	vld [tilespmem:$0x1FEC0]  }
0x78: {  	v50 =	vmul.f32 $8.000000000e+00, v50;
	v60 =	vld [tilespmem:s2+$0x50];
	[tilespmem:v34+s28+$0x0] =	vst.idx.msk $0xffff, v46  }
0x79: {  	v10 =	vmov s12;
	v35 =	vmul.f32 $8.000000000e+00, v57;
	v57 =	vld [tilespmem:s2+$0x0];
	[tilespmem:v51+s28+$0x0] =	vst.idx.msk $0xffff, v47  }
0x7a: {  	v37 =	vmul.f32 $8.000000000e+00, v59;
	v58 =	vshrl.u32 v10, $0x3;
	v59 =	vld [tilespmem:s2+$0x10];
	[tilespmem:v56+s28+$0x0] =	vst.idx.msk $0xffff, v50  }
0x7b: {  	v36 =	vshll.u32 v58, v1;
	v58 =	vld [tilespmem:s2+$0x20];
	[tilespmem:v52+s28+$0x0] =	vst.idx.msk $0xffff, v41  }
0x7c: {  	v10 =	vmov v17;
	[tilespmem:v53+s28+$0x0] =	vst.idx.msk $0xffff, v42;
	v17 =	vmov v2;
	v44 =	vadd.s32 v2, v48;
	v2 =	vld [tilespmem:s2+$0x30]  }
0x7d: {  	v48 =	vbroadcast v36, $0x0;
	v36 =	vmul.f32 $8.000000000e+00, v61;
	v61 =	vld [tilespmem:s2+$0x40];
	[tilespmem:$0x1FE70] =	vst v60  }
0x7e: {  	v50 =	vld [tilespmem:s2+$0x60]  }
0x7f: {  	v39 =	vmul.f32 $8.000000000e+00, v0;
	v0 =	vadd.s32 v3, v48;
	_ =	sdelay $0x2  }
0x80: {  	v54 =	vmul.f32 $8.000000000e+00, v54;
	[tilespmem:v44+s28+$0x0] =	vst.idx.msk $0xffff, v43  }
0x81: {  	[tilespmem:$0x1FE80] =	vst v50  }
0x82: {  	[tilespmem:v0+s28+$0x0] =	vst.idx.msk $0xffff, v54  }
0x83: {  	v34 =	vmul.f32 $8.000000000e+00, v40;
	v40 =	vadd.s32 v15, v48;
	v0 =	vld [tilespmem:$0x1FE40];
	_ =	sdelay $0x4  }
0x84: {  	[tilespmem:v40+s28+$0x0] =	vst.idx.msk $0xffff, v0  }
0x85: {  	v41 =	vadd.s32 v4, v48;
	v0 =	vld [tilespmem:$0x1FE50]  }
0x86: {  	s13 =	simm.s32 $0x1  }
0x87: {  	v63 =	vmul.f32 $8.000000000e+00, v63;
	v49 =	vmov s13  }
0x88: {  	s15 =	simm.s32 $0xC;
	v28 =	vmul.f32 $8.000000000e+00, v38;
	v38 =	vmul.f32 $8.000000000e+00, v33;
	v33 =	vshrl.u32 v49, $0x3  }
0x89: {  	s14 =	simm.s32 $0x2;
	v51 =	vshll.u32 v33, v1;
	v33 =	vmul.f32 $8.000000000e+00, v62;
	v62 =	vmov s15  }
0x8a: {  	v46 =	vbroadcast v51, $0x0;
	v56 =	vmov s14;
	v51 =	vshrl.u32 v62, $0x3;
	[tilespmem:v41+s28+$0x0] =	vst.idx.msk $0xffff, v0  }
0x8b: {  	s14 =	simm.s32 $0x3;
	v49 =	vshrl.u32 v56, $0x3;
	v45 =	vshll.u32 v51, v1;
	v47 =	vadd.s32 v12, v48;
	v0 =	vld [tilespmem:$0x1FE60]  }
0x8c: {  	s15 =	simm.s32 $0xD;
	v56 =	vmov s14;
	v53 =	vshll.u32 v49, v1;
	v48 =	vadd.s32 v11, v46  }
0x8d: {  	v60 =	vmov s15;
	v50 =	vbroadcast v45, $0x0;
	v54 =	vadd.s32 v14, v46;
	v43 =	vld [tilespmem:s2+$0x70]  }
0x8e: {  	v49 =	vadd.s32 v32, v46;
	v51 =	vadd.s32 v13, v46;
	v62 =	vshrl.u32 v60, $0x3;
	v44 =	vld [tilespmem:s2+$0x80]  }
0x8f: {  	v45 =	vld [tilespmem:s2+$0x90];
	v52 =	vadd.s32 v31, v50;
	v60 =	vadd.s32 v22, v50;
	v40 =	vbroadcast v53, $0x0  }
0x90: {  	v46 =	vld [tilespmem:s2+$0xA0];
	v53 =	vadd.s32 v30, v50;
	v41 =	vshrl.u32 v56, $0x3;
	v56 =	vshll.u32 v62, v1;
	[tilespmem:v47+s28+$0x0] =	vst.idx.msk $0xffff, v0  }
0x91: {  	v62 =	vadd.s32 v29, v50;
	v50 =	vld [tilespmem:s2+$0xE0];
	v0 =	vadd.s32 v20, v40;
	[tilespmem:v48+s28+$0x0] =	vst.idx.msk $0xffff, v55  }
0x92: {  	v47 =	vld [tilespmem:s2+$0xB0];
	[tilespmem:v54+s28+$0x0] =	vst.idx.msk $0xffff, v63  }
0x93: {  	v48 =	vld [tilespmem:s2+$0xC0];
	v63 =	vbroadcast v56, $0x0;
	v56 =	vmul.f32 $8.000000000e+00, v57;
	[tilespmem:v49+s28+$0x0] =	vst.idx.msk $0xffff, v28  }
0x94: {  	v49 =	vld [tilespmem:s2+$0xD0];
	[tilespmem:v51+s28+$0x0] =	vst.idx.msk $0xffff, v27  }
0x95: {  	v59 =	vmul.f32 $8.000000000e+00, v59;
	s14 =	simm.s32 $0xE;
	v51 =	vld [tilespmem:s2+$0xF0];
	[tilespmem:v52+s28+$0x0] =	vst.idx.msk $0xffff, v56  }
0x96: {  	v55 =	vmov s14;
	v54 =	vmul.f32 $8.000000000e+00, v58;
	[tilespmem:v0+s28+$0x0] =	vst.idx.msk $0xffff, v6  }
0x97: {  	v57 =	vshrl.u32 v55, $0x3;
	v55 =	vmul.f32 $8.000000000e+00, v2;
	[tilespmem:v53+s28+$0x0] =	vst.idx.msk $0xffff, v59  }
0x98: {  	[tilespmem:v62+s28+$0x0] =	vst.idx.msk $0xffff, v54  }
0x99: {  	s12 =	simm.s32 $0x8;
	v27 =	vadd.s32 v24, v63;
	v0 =	vld [tilespmem:$0x1FE70];
	[tilespmem:v60+s28+$0x0] =	vst.idx.msk $0xffff, v55  }
0x9a: {  	v42 =	vmov s12;
	v61 =	vmul.f32 $8.000000000e+00, v61;
	v57 =	vshll.u32 v57, v1;
	v2 =	vld [tilespmem:$0x1FE80]  }
0x9b: {  	v41 =	vshll.u32 v41, v1;
	v56 =	vadd.s32 v25, v63;
	v57 =	vbroadcast v57, $0x0  }
0x9c: {  	s15 =	simm.s32 $0xF;
	v41 =	vbroadcast v41, $0x0;
	v28 =	vmovc v4;
	v52 =	vld [tilespmem:s2+$0xFFFFFF10];
	v58 =	vadd.s32 v23, v63;
	v59 =	vadd.s32 v26, v63  }
0x9d: {  	v53 =	vld [tilespmem:s2+$0xFFFFFF20];
	v63 =	vmov s15;
	v6 =	vmovc v21;
	v21 =	vmovc v32;
	v32 =	vmov v11;
	v60 =	vadd.s32 v18, v57  }
0x9e: {  	v11 =	vmovc v15;
	v54 =	vld [tilespmem:s2+$0xFFFFFF30];
	[tilespmem:v27+s28+$0x0] =	vst.idx.msk $0xffff, v61;
	v61 =	vadd.s32 v16, v57;
	v62 =	vmul.f32 $8.000000000e+00, v0;
	v0 =	vshrl.u32 v63, $0x3  }
0x9f: {  	s13 =	simm.s32 $0x10;
	v55 =	vld [tilespmem:s2+$0xFFFFFF40];
	v27 =	vmovc v14;
	v14 =	vmovc v12;
	v12 =	vmov v3;
	v63 =	vmul.f32 $8.000000000e+00, v2;
	v0 =	vshll.u32 v0, v1  }
.LBB2_3:
0xa0: {  	v43 =	vmul.f32 $8.000000000e+00, v43;
	v0 =	vbroadcast v0, $0x0;
	[tilespmem:v56+s28+$0x0] =	vst.idx.msk $0xffff, v62;
	v56 =	vadd.s32 v7, v57  }
0xa1: {  	v2 =	vld [tilespmem:s2+$0xFFFFFF50];
	v44 =	vmul.f32 $8.000000000e+00, v44;
	v57 =	vadd.s32 v5, v57;
	[tilespmem:v58+s28+$0x0] =	vst.idx.msk $0xffff, v63  }
0xa2: {  	v45 =	vmul.f32 $8.000000000e+00, v45;
	v3 =	vld [tilespmem:$0x1FF10];
	[tilespmem:v59+s28+$0x0] =	vst.idx.msk $0xffff, v43;
	v43 =	vadd.s32 v9, v0  }
0xa3: {  	v46 =	vmul.f32 $8.000000000e+00, v46;
	v62 =	vld [tilespmem:s2+$0xFFFFFF60];
	[tilespmem:v60+s28+$0x0] =	vst.idx.msk $0xffff, v44  }
0xa4: {  	v47 =	vmul.f32 $8.000000000e+00, v47;
	v58 =	vld [tilespmem:s2+$0xFFFFFF70];
	[tilespmem:v61+s28+$0x0] =	vst.idx.msk $0xffff, v45  }
0xa5: {  	v48 =	vmul.f32 $8.000000000e+00, v48;
	v59 =	vld [tilespmem:s2+$0xFFFFFF80];
	[tilespmem:v56+s28+$0x0] =	vst.idx.msk $0xffff, v46  }
0xa6: {  	v44 =	vadd.s32 v8, v0;
	v60 =	vld [tilespmem:s2+$0xFFFFFF90];
	[tilespmem:v57+s28+$0x0] =	vst.idx.msk $0xffff, v47  }
0xa7: {  	v45 =	vadd.s32 v19, v0;
	[tilespmem:v43+s28+$0x0] =	vst.idx.msk $0xffff, v48;
	v43 =	vadd.s32 v3, v40;
	v3 =	vld [tilespmem:$0x1FF20]  }
0xa8: {  	v61 =	vld [tilespmem:s2+$0xFFFFFFA0]  }
0xa9: {  	v49 =	vmul.f32 $8.000000000e+00, v49;
	v46 =	vld [tilespmem:s2+$0xFFFFFFB0]  }
0xaa: {  	v50 =	vmul.f32 $8.000000000e+00, v50;
	v0 =	vadd.s32 v17, v0;
	v57 =	vmul.f32 $8.000000000e+00, v58;
	v58 =	vld [tilespmem:s2+$0xFFFFFFC0]  }
0xab: {  	v48 =	vld [tilespmem:s2+$0xFFFFFFD0];
	[tilespmem:v44+s28+$0x0] =	vst.idx.msk $0xffff, v49  }
0xac: {  	v47 =	vadd.s32 v10, v40;
	[tilespmem:v45+s28+$0x0] =	vst.idx.msk $0xffff, v50;
	v45 =	vadd.s32 v3, v41;
	v3 =	vld [tilespmem:$0x1FF30]  }
0xad: {  	v51 =	vmul.f32 $8.000000000e+00, v51;
	v49 =	vld [tilespmem:s2+$0xFFFFFFE0]  }
0xae: {  	v42 =	vshrl.u32 v42, $0x3;
	v44 =	vmul.f32 $8.000000000e+00, v60;
	v60 =	vld [tilespmem:s2+$0xFFFFFFF0]  }
0xaf: {  	v42 =	vshll.u32 v42, v1;
	[tilespmem:v0+s28+$0x0] =	vst.idx.msk $0xffff, v51;
	v0 =	vld [tilespmem:$0x1FEF0]  }
0xb0: {  	v42 =	vbroadcast v42, $0x0;
	v51 =	vld [tilespmem:s2+$0xFFFFFF00]  }
0xb1: {  	v52 =	vmul.f32 $8.000000000e+00, v52;
	v53 =	vmul.f32 $8.000000000e+00, v53;
	[tilespmem:v47+s28+$0x0] =	vst.idx.msk $0xffff, v35;
	v47 =	vadd.s32 v3, v41;
	v3 =	vld [tilespmem:$0x1FF00]  }
0xb2: {  	v54 =	vmul.f32 $8.000000000e+00, v54;
	v55 =	vmul.f32 $8.000000000e+00, v55;
	v40 =	vadd.s32 v6, v40  }
0xb3: {  	v2 =	vmul.f32 $8.000000000e+00, v2;
	v56 =	vmul.f32 $8.000000000e+00, v62  }
0xb4: {  	s14 =	sadd.s32 $0x1, s12;
	v59 =	vmul.f32 $8.000000000e+00, v59;
	v50 =	vmul.f32 $8.000000000e+00, v61;
	v0 =	vadd.s32 v0, v41  }
0xb5: {  	v63 =	vmov s14;
	v46 =	vmul.f32 $8.000000000e+00, v46;
	s2 =	sadd.s32 $0x200, s2;
	v35 =	vmovc v44;
	v44 =	vmul.f32 $8.000000000e+00, v58  }
0xb6: {  	v61 =	vld [tilespmem:s2+$0x0];
	v58 =	vshrl.u32 v63, $0x3;
	[tilespmem:v43+s28+$0x0] =	vst.idx.msk $0xffff, v37;
	v43 =	vmul.f32 $8.000000000e+00, v48;
	v41 =	vadd.s32 v3, v41  }
0xb7: {  	v62 =	vld [tilespmem:s2+$0x20];
	v48 =	vadd.s32 v12, v42;
	[tilespmem:v40+s28+$0x0] =	vst.idx.msk $0xffff, v36;
	v40 =	vmul.f32 $8.000000000e+00, v49;
	v49 =	vshll.u32 v58, v1  }
0xb8: {  	v63 =	vld [tilespmem:s2+$0x50];
	v37 =	vmovc v50;
	v36 =	vmov v46;
	v46 =	vadd.s32 v11, v42;
	v49 =	vbroadcast v49, $0x0;
	[tilespmem:v45+s28+$0x0] =	vst.idx.msk $0xffff, v38  }
0xb9: {  	s15 =	sadd.s32 $0x4, s13;
	s14 =	sadd.s32 $0x2, s12;
	v50 =	vld [tilespmem:s2+$0x10];
	v45 =	vmul.f32 $8.000000000e+00, v60;
	v60 =	vadd.s32 v28, v42;
	v38 =	vmovc v44;
	v44 =	vmul.f32 $8.000000000e+00, v51;
	[tilespmem:v0+s28+$0x0] =	vst.idx.msk $0xffff, v39  }
0xba: {  	v58 =	vld [tilespmem:s2+$0x30];
	v42 =	vadd.s32 v14, v42;
	v51 =	vmov s14;
	[tilespmem:v47+s28+$0x0] =	vst.idx.msk $0xffff, v34;
	v34 =	vmovc v40;
	v40 =	vmov s15  }
0xbb: {  	v51 =	vshrl.u32 v51, $0x3;
	v0 =	vld [tilespmem:s2+$0x40];
	v39 =	vmovc v43;
	v47 =	vadd.s32 v32, v49;
	v40 =	vshrl.u32 v40, $0x3;
	[tilespmem:v41+s28+$0x0] =	vst.idx.msk $0xffff, v33  }
0xbc: {  	v43 =	vld [tilespmem:s2+$0x70];
	v33 =	vmov v45;
	v41 =	vadd.s32 v27, v49;
	[tilespmem:v48+s28+$0x0] =	vst.idx.msk $0xffff, v44;
	v44 =	vshll.u32 v51, v1  }
0xbd: {  	v3 =	vld [tilespmem:s2+$0x60];
	s15 =	sadd.s32 $0x5, s13;
	v45 =	vshll.u32 v40, v1;
	v51 =	vadd.s32 v21, v49;
	[tilespmem:v46+s28+$0x0] =	vst.idx.msk $0xffff, v52;
	v40 =	vbroadcast v44, $0x0  }
0xbe: {  	s14 =	sadd.s32 $0x3, s12;
	v48 =	vmov s15;
	v44 =	vld [tilespmem:s2+$0x80];
	v52 =	vbroadcast v45, $0x0;
	[tilespmem:v60+s28+$0x0] =	vst.idx.msk $0xffff, v53;
	v53 =	vadd.s32 v13, v49  }
0xbf: {  	v45 =	vld [tilespmem:s2+$0x90];
	v48 =	vshrl.u32 v48, $0x3;
	v60 =	vmov s14;
	[tilespmem:v42+s28+$0x0] =	vst.idx.msk $0xffff, v54;
	v54 =	vadd.s32 v20, v40  }
0xc0: {  	v46 =	vld [tilespmem:s2+$0xA0];
	v4 =	vshll.u32 v48, v1;
	v42 =	vshrl.u32 v60, $0x3;
	v60 =	vadd.s32 v31, v52;
	[tilespmem:v47+s28+$0x0] =	vst.idx.msk $0xffff, v55  }
0xc1: {  	v0 =	vmul.f32 $8.000000000e+00, v0;
	v48 =	vld [tilespmem:s2+$0xC0];
	v49 =	vshll.u32 v42, v1;
	v55 =	vadd.s32 v30, v52;
	[tilespmem:v41+s28+$0x0] =	vst.idx.msk $0xffff, v2  }
0xc2: {  	s15 =	sadd.s32 $0x6, s13;
	v4 =	vbroadcast v4, $0x0;
	v47 =	vld [tilespmem:s2+$0xB0];
	v2 =	vadd.s32 v29, v52;
	v41 =	vbroadcast v49, $0x0;
	[tilespmem:v51+s28+$0x0] =	vst.idx.msk $0xffff, v56  }
0xc3: {  	v49 =	vld [tilespmem:s2+$0xD0];
	v56 =	vmul.f32 $8.000000000e+00, v61;
	v61 =	vadd.s32 v22, v52;
	v51 =	vmov s15;
	[tilespmem:v53+s28+$0x0] =	vst.idx.msk $0xffff, v57  }
0xc4: {  	p0 =	slt.u32 s13, $0x1F8;
	v15 =	vmovc v5;
	v5 =	vadd.s32 v24, v4;
	v53 =	vmul.f32 $8.000000000e+00, v50;
	v50 =	vld [tilespmem:s2+$0xE0];
	v52 =	vshrl.u32 v51, $0x3;
	[tilespmem:v54+s28+$0x0] =	vst.idx.msk $0xffff, v59  }
.Ltmp0:
0xc5: {  	v51 =	vld [tilespmem:s2+$0xF0];
	v54 =	vmul.f32 $8.000000000e+00, v62;
	[tilespmem:v60+s28+$0x0] =	vst.idx.msk $0xffff, v56;
	v56 =	vadd.s32 v25, v4;
	v57 =	vshll.u32 v52, v1;
	(pc) =	sbr.rel @p0 .LBB2_3-.Ltmp0, $4  }
0xc6: {  	s15 =	sadd.s32 $0x7, s13;
	v60 =	vmul.f32 $8.000000000e+00, v58;
	v58 =	vadd.s32 v23, v4;
	v52 =	vld [tilespmem:s2+$0xFFFFFF10];
	[tilespmem:v55+s28+$0x0] =	vst.idx.msk $0xffff, v53;
	v57 =	vbroadcast v57, $0x0  }
0xc7: {  	v59 =	vadd.s32 v26, v4;
	v62 =	vmul.f32 $8.000000000e+00, v63;
	v53 =	vld [tilespmem:s2+$0xFFFFFF20];
	[tilespmem:v2+s28+$0x0] =	vst.idx.msk $0xffff, v54;
	v2 =	vmov s15  }
0xc8: {  	v63 =	vmul.f32 $8.000000000e+00, v3;
	v55 =	vld [tilespmem:s2+$0xFFFFFF40];
	[tilespmem:v61+s28+$0x0] =	vst.idx.msk $0xffff, v60;
	v60 =	vadd.s32 v18, v57;
	v2 =	vshrl.u32 v2, $0x3  }
0xc9: {  	s12 =	smov.u32 s13;
	v42 =	vmov s13;
	s13 =	sadd.s32 $0x8, s13;
	v54 =	vld [tilespmem:s2+$0xFFFFFF30];
	v61 =	vadd.s32 v16, v57;
	[tilespmem:v5+s28+$0x0] =	vst.idx.msk $0xffff, v0;
	v5 =	vmovc v15;
	v0 =	vshll.u32 v2, v1  }
0xca: {  	_ =	sdelay $0x3  }
0xcb: {  	v2 =	vmul.f32 $8.000000000e+00, v43;
	[tilespmem:v56+s28+$0x0] =	vst.idx.msk $0xffff, v62;
	v3 =	vadd.s32 v7, v57;
	v0 =	vbroadcast v0, $0x0  }
0xcc: {  	v4 =	vmul.f32 $8.000000000e+00, v44;
	v5 =	vadd.s32 v5, v57;
	[tilespmem:v58+s28+$0x0] =	vst.idx.msk $0xffff, v63  }
0xcd: {  	v57 =	vmul.f32 $8.000000000e+00, v45;
	[tilespmem:v59+s28+$0x0] =	vst.idx.msk $0xffff, v2;
	v2 =	vadd.s32 v9, v0  }
0xce: {  	v58 =	vmul.f32 $8.000000000e+00, v46;
	[tilespmem:v60+s28+$0x0] =	vst.idx.msk $0xffff, v4  }
0xcf: {  	v59 =	vmul.f32 $8.000000000e+00, v47;
	[tilespmem:v61+s28+$0x0] =	vst.idx.msk $0xffff, v57  }
0xd0: {  	v61 =	vmul.f32 $8.000000000e+00, v48;
	[tilespmem:v3+s28+$0x0] =	vst.idx.msk $0xffff, v58  }
0xd1: {  	[tilespmem:v5+s28+$0x0] =	vst.idx.msk $0xffff, v59  }
0xd2: {  	[tilespmem:v2+s28+$0x0] =	vst.idx.msk $0xffff, v61  }
0xd3: {  	v4 =	vadd.s32 v8, v0;
	v24 =	vld [tilespmem:$0x1FF10]  }
0xd4: {  	v60 =	vadd.s32 v19, v0  }
0xd5: {  	v0 =	vadd.s32 v17, v0  }
0xd6: {  	v62 =	vmul.f32 $8.000000000e+00, v49;
	v5 =	vadd.s32 v10, v40  }
0xd7: {  	v63 =	vmul.f32 $8.000000000e+00, v50  }
0xd8: {  	v45 =	vld [tilespmem:s2+$0xFFFFFF60];
	v26 =	vmul.f32 $8.000000000e+00, v51;
	[tilespmem:v4+s28+$0x0] =	vst.idx.msk $0xffff, v62;
	v2 =	vadd.s32 v24, v40  }
0xd9: {  	v44 =	vld [tilespmem:s2+$0xFFFFFF90];
	[tilespmem:v60+s28+$0x0] =	vst.idx.msk $0xffff, v63  }
0xda: {  	v22 =	vld [tilespmem:$0x1FF20];
	[tilespmem:v0+s28+$0x0] =	vst.idx.msk $0xffff, v26  }
0xdb: {  	v23 =	vld [tilespmem:$0x1FEF0];
	[tilespmem:v5+s28+$0x0] =	vst.idx.msk $0xffff, v35  }
0xdc: {  	v16 =	vmov v7;
	v7 =	vmov v9;
	v9 =	vld [tilespmem:$0x1FF30]  }
0xdd: {  	v46 =	vld [tilespmem:s2+$0xFFFFFF70];
	[tilespmem:v2+s28+$0x0] =	vst.idx.msk $0xffff, v37  }
0xde: {  	v25 =	vmov v10;
	v42 =	vshrl.u32 v42, $0x3;
	v4 =	vadd.s32 v6, v40;
	v10 =	vld [tilespmem:$0x1FF00]  }
0xdf: {  	v42 =	vshll.u32 v42, v1;
	v57 =	vld [tilespmem:s2+$0xFFFFFF00];
	v56 =	vadd.s32 v22, v41  }
0xe0: {  	v42 =	vbroadcast v42, $0x0;
	v3 =	vld [tilespmem:s2+$0xFFFFFF50];
	v0 =	vadd.s32 v23, v41  }
0xe1: {  	s13 =	sadd.s32 $0x1, s12;
	v35 =	vld [tilespmem:s2+$0xFFFFFFA0];
	v5 =	vadd.s32 v9, v41  }
0xe2: {  	v58 =	vmov s13;
	v59 =	vadd.s32 v12, v42;
	v40 =	vld [tilespmem:s2+$0xFFFFFF80]  }
0xe3: {  	v48 =	vshrl.u32 v58, $0x3;
	v37 =	vld [tilespmem:s2+$0xFFFFFFB0];
	[tilespmem:v4+s28+$0x0] =	vst.idx.msk $0xffff, v36;
	v2 =	vadd.s32 v10, v41  }
0xe4: {  	v48 =	vshll.u32 v48, v1;
	v26 =	vadd.s32 v11, v42;
	v4 =	vld [tilespmem:s2+$0xFFFFFFC0];
	[tilespmem:v56+s28+$0x0] =	vst.idx.msk $0xffff, v38  }
0xe5: {  	s15 =	sadd.s32 $0x2, s12;
	v43 =	vadd.s32 v28, v42;
	v48 =	vbroadcast v48, $0x0;
	v38 =	vld [tilespmem:s2+$0xFFFFFFD0];
	v56 =	vmul.f32 $8.000000000e+00, v57;
	[tilespmem:v0+s28+$0x0] =	vst.idx.msk $0xffff, v39  }
0xe6: {  	v42 =	vadd.s32 v14, v42;
	v57 =	vmov s15;
	v0 =	vld [tilespmem:s2+$0xFFFFFFE0];
	[tilespmem:v5+s28+$0x0] =	vst.idx.msk $0xffff, v34  }
0xe7: {  	v58 =	vadd.s32 v32, v48;
	v47 =	vshrl.u32 v57, $0x3;
	v5 =	vmul.f32 $8.000000000e+00, v52;
	v34 =	vld [tilespmem:s2+$0xFFFFFFF0];
	[tilespmem:v59+s28+$0x0] =	vst.idx.msk $0xffff, v56  }
0xe8: {  	v59 =	vadd.s32 v27, v48;
	v60 =	vshll.u32 v47, v1;
	[tilespmem:v2+s28+$0x0] =	vst.idx.msk $0xffff, v33;
	v2 =	vmul.f32 $8.000000000e+00, v53  }
0xe9: {  	s14 =	sadd.s32 $0x3, s12;
	v61 =	vmul.f32 $8.000000000e+00, v54;
	[tilespmem:v26+s28+$0x0] =	vst.idx.msk $0xffff, v5;
	v5 =	vadd.s32 v21, v48;
	v26 =	vbroadcast v60, $0x0  }
0xea: {  	v47 =	vmul.f32 $8.000000000e+00, v55;
	[tilespmem:v43+s28+$0x0] =	vst.idx.msk $0xffff, v2;
	v2 =	vadd.s32 v13, v48;
	v48 =	vmov s14  }
0xeb: {  	v3 =	vmul.f32 $8.000000000e+00, v3;
	v50 =	vadd.s32 v20, v26;
	[tilespmem:v42+s28+$0x0] =	vst.idx.msk $0xffff, v61;
	v51 =	vshrl.u32 v48, $0x3  }
0xec: {  	v52 =	vmul.f32 $8.000000000e+00, v45;
	v54 =	vadd.s32 v25, v26;
	[tilespmem:v58+s28+$0x0] =	vst.idx.msk $0xffff, v47;
	v53 =	vshll.u32 v51, v1  }
0xed: {  	v55 =	vmul.f32 $8.000000000e+00, v46;
	v56 =	vadd.s32 v24, v26;
	[tilespmem:v59+s28+$0x0] =	vst.idx.msk $0xffff, v3;
	v3 =	vbroadcast v53, $0x0  }
0xee: {  	v57 =	vmul.f32 $8.000000000e+00, v40;
	[tilespmem:v5+s28+$0x0] =	vst.idx.msk $0xffff, v52;
	v5 =	vadd.s32 v6, v26  }
0xef: {  	v58 =	vmul.f32 $8.000000000e+00, v44;
	[tilespmem:v2+s28+$0x0] =	vst.idx.msk $0xffff, v55;
	v2 =	vadd.s32 v22, v3  }
0xf0: {  	v35 =	vmul.f32 $8.000000000e+00, v35;
	v59 =	vadd.s32 v23, v3;
	[tilespmem:v50+s28+$0x0] =	vst.idx.msk $0xffff, v57  }
0xf1: {  	v37 =	vmul.f32 $8.000000000e+00, v37;
	v60 =	vadd.s32 v9, v3;
	[tilespmem:v54+s28+$0x0] =	vst.idx.msk $0xffff, v58  }
0xf2: {  	v4 =	vmul.f32 $8.000000000e+00, v4;
	v3 =	vadd.s32 v10, v3;
	[tilespmem:v56+s28+$0x0] =	vst.idx.msk $0xffff, v35  }
0xf3: {  	s15 =	sshll.u32 s31, $0x15;
	v61 =	vmul.f32 $8.000000000e+00, v38;
	[tilespmem:v5+s28+$0x0] =	vst.idx.msk $0xffff, v37  }
0xf4: {  	s2 =	sor.u32 s5, s15;
	v0 =	vmul.f32 $8.000000000e+00, v0;
	[tilespmem:v2+s28+$0x0] =	vst.idx.msk $0xffff, v4  }
0xf5: {  	s2 =	sshrl.u32 s2, $0x3;
	v2 =	vmul.f32 $8.000000000e+00, v34;
	[tilespmem:v59+s28+$0x0] =	vst.idx.msk $0xffff, v61  }
0xf6: {  	v18 =	vmovc v13;
	s12 =	simm.s32 $0x10400;
	v62 =	vmov v11;
	v63 =	vmov v12;
	v12 =	vmov v14;
	s2 =	sadd.s32 s6, s2;
	[tilespmem:v60+s28+$0x0] =	vst.idx.msk $0xffff, v0  }
0xf7: {  	s13 =	simm.s32 $0x800;
	v11 =	vmovc v28;
	s15 =	sadd.s32 $0x0, s2;
	s14 =	simm.s32 $0x10610;
	v13 =	vmovc v27;
	v6 =	vmov v7;
	v9 =	vmov v19;
	v10 =	vmov v17;
	[tilespmem:v3+s28+$0x0] =	vst.idx.msk $0xffff, v2  }
.LBB2_5:
0xf8: {  	[hbm4b:s15+s1] =	stream.linear.scatter [tilespmem:s12], [sflag:$0x3], $0x200, $0x38;
	[tilespmem:$0x18800] =	vst v63  }
0xf9: {  	s15 =	smov.u32 s13;
	s12 =	smov.u32 s14;
	p0 =	sne.s32 s13, $0x1F800  }
.Ltmp1:
0xfa: {  	s13 =	sadd.s32 $0x800, s13;
	(pc) =	sbr.rel @p0 .LBB2_5-.Ltmp1, $2  }
0xfb: {  	_ =	sdelay $0x2  }
0xfc: {  	s14 =	sadd.s32 $0x210, s14;
	s15 =	sadd.s32 s15, s2  }
0xfd: {  	[hbm4b:s15+s1] =	stream.linear.scatter [tilespmem:s12], [sflag:$0x3], $0x200, $0x38;
	[tilespmem:$0x18800] =	vst v63  }
0xfe: {  	p0 =	seq.s32 s31, $0x63  }
0xff: {  	s2 =	sshll.u32 @!p0 s31, $0xF  }
0x100: {  	_ =	swait.ge [sflag:s10], $0x8000;
	s2 =	sadd.s32 @!p0 s8, s2  }
0x101: {  	[sflag:s10] =	ssyncset.done $0x0;
	s2 =	sshrl.u32 @!p0 s2, $0x3  }
0x102: {  	s12 =	simm.s32 @!p0 $0x0;
	[sflag:s10] =	ssyncadd.s32 $0xFFFF8000;
	s2 =	sadd.s32 @!p0 s3, s2  }
0x103: {  	[tilespmem:s12], [sflag:$0x3] =	stream.linear.gather @!p0 [hbm4b:s2+s12], $0x200, $0x38;
	[tilespmem:$0x18800] =	vst v63  }
0x104: {  	s2 =	simm.s32 @!p0 $0x3  }
0x105: {  	_ =	swait.ge @!p0 [sflag:s2], $0x200  }
0x106: {  	[sflag:s2] =	ssyncset.done @!p0 $0x0  }
0x107: {  	s13 =	simm.s32 @!p0 $0x400;
	[sflag:s2] =	ssyncadd.s32 @!p0 $0xFFFFFE00;
	s2 =	simm.s32 @!p0 $0x80  }
0x108: {  	[tilespmem:s13], [sflag:$0x1] =	stream.indirect.gather @!p0 [hbm4b:s4+s2], $0x40, s12, s2, $0xb8;
	[tilespmem:$0x18800] =	vst v63  }
0x109: {  	s12 =	simm.s32 @!p0 $0x2400  }
0x10a: {  	[tilespmem:s12], [sflag:$0x1] =	stream.indirect.gather @!p0 [hbm4b:s4+s2], $0x40, s2, s2, $0xb8;
	[tilespmem:$0x18800] =	vst v63  }
0x10b: {  	s13 =	simm.s32 @!p0 $0x4400;
	s12 =	simm.s32 @!p0 $0x100  }
0x10c: {  	[tilespmem:s13], [sflag:$0x1] =	stream.indirect.gather @!p0 [hbm4b:s4+s2], $0x40, s12, s2, $0xb8;
	[tilespmem:$0x18800] =	vst v63  }
0x10d: {  	s12 =	simm.s32 @!p0 $0x180;
	s13 =	simm.s32 @!p0 $0x6400  }
0x10e: {  	[tilespmem:s13], [sflag:$0x1] =	stream.indirect.gather @!p0 [hbm4b:s4+s2], $0x40, s12, s2, $0xb8;
	[tilespmem:$0x18800] =	vst v63  }
0x10f: {  	_ =	swait.ge [sflag:s29], $0x2000  }
0x110: {  	[sflag:s29] =	ssyncset.done $0x0  }
0x111: {  	[sflag:s29] =	ssyncadd.s32 $0xFFFFE000  }
0x112: {  	_ =	swait.ge [sflag:s29], $0x2000  }
0x113: {  	[sflag:s29] =	ssyncset.done $0x0  }
0x114: {  	[sflag:s29] =	ssyncadd.s32 $0xFFFFE000  }
0x115: {  	_ =	swait.ge [sflag:s29], $0x2000  }
0x116: {  	[sflag:s29] =	ssyncset.done $0x0  }
0x117: {  	[sflag:s29] =	ssyncadd.s32 $0xFFFFE000  }
0x118: {  	_ =	swait.ge [sflag:s29], $0x2000  }
0x119: {  	v24 =	vld [tilespmem:$0x1FF90]  }
0x11a: {  	v25 =	vld [tilespmem:$0x1FFB0]  }
0x11b: {  	v26 =	vld [tilespmem:$0x1FFD0]  }
0x11c: {  	v27 =	vld [tilespmem:$0x1FFC0]  }
0x11d: {  	[sflag:s29] =	ssyncset.done $0x0;
	v28 =	vld [tilespmem:$0x1FFA0]  }
0x11e: {  	s2 =	simm.s32 $0x85F0;
	v29 =	vld [tilespmem:$0x1FF80];
	[sflag:s29] =	ssyncadd.s32 $0xFFFFE000  }
0x11f: {  	v0 =	vld [tilespmem:s2+$0xFFFFFF10]  }
0x120: {  	v2 =	vld [tilespmem:s2+$0xFFFFFF20]  }
0x121: {  	v3 =	vld [tilespmem:s2+$0xFFFFFF30]  }
0x122: {  	v4 =	vld [tilespmem:s2+$0xFFFFFF40]  }
0x123: {  	v5 =	vld [tilespmem:s2+$0xFFFFFF50]  }
0x124: {  	v33 =	vld [tilespmem:s2+$0xFFFFFF60]  }
0x125: {  	s14 =	simm.s32 $0x4;
	v34 =	vld [tilespmem:s2+$0xFFFFFF70]  }
0x126: {  	v37 =	vmov s14;
	v35 =	vld [tilespmem:s2+$0xFFFFFF80]  }
0x127: {  	v37 =	vshrl.u32 v37, $0x3;
	v36 =	vld [tilespmem:s2+$0xFFFFFF90]  }
0x128: {  	v37 =	vshll.u32 v37, v1;
	v38 =	vld [tilespmem:s2+$0xFFFFFFA0]  }
0x129: {  	v37 =	vbroadcast v37, $0x0;
	v39 =	vld [tilespmem:s2+$0xFFFFFFB0]  }
0x12a: {  	v40 =	vld [tilespmem:s2+$0xFFFFFFC0]  }
0x12b: {  	v44 =	vadd.s32 v31, v37;
	v42 =	vld [tilespmem:s2+$0xFFFFFFD0]  }
0x12c: {  	s15 =	simm.s32 $0x5;
	v47 =	vadd.s32 v30, v37;
	v43 =	vld [tilespmem:s2+$0xFFFFFFE0]  }
0x12d: {  	v41 =	vmov s15;
	s14 =	simm.s32 $0x6;
	v45 =	vld [tilespmem:s2+$0xFFFFFFF0]  }
0x12e: {  	s15 =	simm.s32 $0x7;
	v41 =	vshrl.u32 v41, $0x3;
	v51 =	vmov s14;
	v48 =	vld [tilespmem:s2+$0x0];
	v0 =	vmul.f32 $8.000000000e+00, v0  }
0x12f: {  	v58 =	vmov s15;
	v41 =	vshll.u32 v41, v1;
	v50 =	vld [tilespmem:s2+$0xFFFFFE20];
	v2 =	vmul.f32 $8.000000000e+00, v2  }
0x130: {  	v23 =	vmovc v30;
	v51 =	vshrl.u32 v51, $0x3;
	v41 =	vbroadcast v41, $0x0;
	v53 =	vld [tilespmem:s2+$0xFFFFFE30];
	v49 =	vadd.s32 v24, v37;
	[tilespmem:v44+s28+$0x0] =	vst.idx.msk $0xffff, v0  }
0x131: {  	v58 =	vshrl.u32 v58, $0x3;
	v51 =	vshll.u32 v51, v1;
	v37 =	vadd.s32 v25, v37;
	v30 =	vld [tilespmem:$0x1FF60];
	[tilespmem:v47+s28+$0x0] =	vst.idx.msk $0xffff, v2  }
0x132: {  	v22 =	vmovc v31;
	v58 =	vshll.u32 v58, v1;
	v51 =	vbroadcast v51, $0x0;
	s13 =	simm.s32 $0x0;
	v52 =	vadd.s32 v26, v41;
	v31 =	vld [tilespmem:$0x1FF50]  }
0x133: {  	v46 =	vmov s13;
	v60 =	vld [tilespmem:s2+$0xFFFFFE70];
	v54 =	vadd.s32 v27, v41;
	v3 =	vmul.f32 $8.000000000e+00, v3  }
0x134: {  	v55 =	vld [tilespmem:s2+$0xFFFFFE40];
	v56 =	vadd.s32 v28, v41;
	v4 =	vmul.f32 $8.000000000e+00, v4;
	v5 =	vmul.f32 $8.000000000e+00, v5  }
0x135: {  	v57 =	vld [tilespmem:s2+$0xFFFFFE50];
	v41 =	vadd.s32 v29, v41;
	v33 =	vmul.f32 $8.000000000e+00, v33;
	v34 =	vmul.f32 $8.000000000e+00, v34;
	[tilespmem:v49+s28+$0x0] =	vst.idx.msk $0xffff, v3  }
0x136: {  	v59 =	vld [tilespmem:s2+$0xFFFFFE60];
	v35 =	vmul.f32 $8.000000000e+00, v35;
	v36 =	vmul.f32 $8.000000000e+00, v36;
	[tilespmem:v37+s28+$0x0] =	vst.idx.msk $0xffff, v4;
	v0 =	vadd.s32 v30, v51  }
0x137: {  	v61 =	vld [tilespmem:s2+$0xFFFFFE80];
	v38 =	vmul.f32 $8.000000000e+00, v38;
	v39 =	vmul.f32 $8.000000000e+00, v39;
	[tilespmem:v52+s28+$0x0] =	vst.idx.msk $0xffff, v5;
	v2 =	vadd.s32 v31, v51  }
0x138: {  	v17 =	vmul.f32 $8.000000000e+00, v60;
	v60 =	vld [tilespmem:s2+$0xFFFFFEE0];
	v44 =	vbroadcast v58, $0x0;
	v3 =	vadd.s32 v16, v51;
	[tilespmem:v54+s28+$0x0] =	vst.idx.msk $0xffff, v33  }
0x139: {  	v40 =	vmul.f32 $8.000000000e+00, v40;
	v58 =	vld [tilespmem:s2+$0xFFFFFE90];
	v47 =	vmul.f32 $8.000000000e+00, v53;
	v4 =	vadd.s32 v15, v51;
	[tilespmem:v56+s28+$0x0] =	vst.idx.msk $0xffff, v34  }
0x13a: {  	v53 =	vld [tilespmem:s2+$0xFFFFFEA0];
	v5 =	vadd.s32 v6, v44;
	v33 =	vadd.s32 v8, v44;
	v54 =	vshrl.u32 v46, $0x3;
	[tilespmem:v41+s28+$0x0] =	vst.idx.msk $0xffff, v35  }
0x13b: {  	v49 =	vmul.f32 $8.000000000e+00, v55;
	v55 =	vld [tilespmem:s2+$0xFFFFFEB0];
	v56 =	vadd.s32 v9, v44;
	v54 =	vshll.u32 v54, v1;
	[tilespmem:v0+s28+$0x0] =	vst.idx.msk $0xffff, v36  }
0x13c: {  	v0 =	vmul.f32 $8.000000000e+00, v48;
	v48 =	vld [tilespmem:s2+$0xFFFFFE10];
	[tilespmem:v2+s28+$0x0] =	vst.idx.msk $0xffff, v38;
	v2 =	vadd.s32 v10, v44;
	v44 =	vbroadcast v54, $0x0  }
0x13d: {  	v42 =	vmul.f32 $8.000000000e+00, v42;
	v52 =	vmul.f32 $8.000000000e+00, v59;
	v59 =	vld [tilespmem:s2+$0xFFFFFED0];
	[tilespmem:v3+s28+$0x0] =	vst.idx.msk $0xffff, v39  }
0x13e: {  	v43 =	vmul.f32 $8.000000000e+00, v43;
	v34 =	vld [tilespmem:s2+$0xFFFFFEF0];
	[tilespmem:v4+s28+$0x0] =	vst.idx.msk $0xffff, v40;
	v4 =	vadd.s32 v63, v44  }
0x13f: {  	v51 =	vmul.f32 $8.000000000e+00, v57;
	v57 =	vld [tilespmem:s2+$0xFFFFFEC0];
	v41 =	vmul.f32 $8.000000000e+00, v45;
	[tilespmem:v5+s28+$0x0] =	vst.idx.msk $0xffff, v42;
	v5 =	vadd.s32 v62, v44  }
0x140: {  	v45 =	vld [tilespmem:s2+$0xFFFFFF00];
	s2 =	simm.s32 $0x87F0;
	v42 =	vadd.s32 v11, v44;
	[tilespmem:v33+s28+$0x0] =	vst.idx.msk $0xffff, v43  }
0x141: {  	v35 =	vmul.f32 $8.000000000e+00, v53;
	v53 =	vld [tilespmem:s2+$0xFFFFFF10];
	v48 =	vmul.f32 $8.000000000e+00, v48;
	[tilespmem:v56+s28+$0x0] =	vst.idx.msk $0xffff, v41;
	v41 =	vadd.s32 v12, v44  }
0x142: {  	s13 =	simm.s32 $0x1;
	v50 =	vmul.f32 $8.000000000e+00, v50;
	v37 =	vmul.f32 $8.000000000e+00, v55;
	v55 =	vld [tilespmem:s2+$0xFFFFFF20];
	[tilespmem:v2+s28+$0x0] =	vst.idx.msk $0xffff, v0  }
0x143: {  	v3 =	vmov s13;
	v10 =	vld [tilespmem:$0x1FF40];
	[tilespmem:v4+s28+$0x0] =	vst.idx.msk $0xffff, v48  }
0x144: {  	v36 =	vmul.f32 $8.000000000e+00, v57;
	v57 =	vld [tilespmem:s2+$0xFFFFFF30];
	v3 =	vshrl.u32 v3, $0x3;
	[tilespmem:v5+s28+$0x0] =	vst.idx.msk $0xffff, v50  }
0x145: {  	s14 =	simm.s32 $0x2;
	v38 =	vmul.f32 $8.000000000e+00, v59;
	v59 =	vld [tilespmem:s2+$0xFFFFFF40];
	v3 =	vshll.u32 v3, v1;
	[tilespmem:v42+s28+$0x0] =	vst.idx.msk $0xffff, v47  }
0x146: {  	v19 =	vld [tilespmem:s2+$0xFFFFFF50];
	v54 =	vmov s14;
	s14 =	simm.s32 $0x3;
	v3 =	vbroadcast v3, $0x0;
	[tilespmem:v41+s28+$0x0] =	vst.idx.msk $0xffff, v49  }
0x147: {  	s15 =	simm.s32 $0xC;
	v39 =	vmul.f32 $8.000000000e+00, v60;
	v60 =	vmov s14;
	v4 =	vld [tilespmem:$0x1FF70]  }
0x148: {  	v46 =	vld [tilespmem:s2+$0xFFFFFFB0];
	v43 =	vshrl.u32 v54, $0x3;
	v0 =	vmov s15;
	v2 =	vadd.s32 v10, v3  }
0x149: {  	v32 =	vmovc v16;
	v16 =	vmovc v63;
	v63 =	vld [tilespmem:s2+$0xFFFFFF70];
	v56 =	vshll.u32 v43, v1;
	v0 =	vshrl.u32 v0, $0x3;
	v48 =	vadd.s32 v13, v3  }
0x14a: {  	v20 =	vmovc v62;
	v62 =	vld [tilespmem:s2+$0xFFFFFF60];
	v40 =	vbroadcast v56, $0x0;
	v0 =	vshll.u32 v0, v1;
	v50 =	vadd.s32 v21, v3  }
0x14b: {  	v33 =	vmul.f32 $8.000000000e+00, v45;
	v45 =	vld [tilespmem:s2+$0xFFFFFFA0];
	s15 =	simm.s32 $0xD;
	v0 =	vbroadcast v0, $0x0;
	v3 =	vadd.s32 v18, v3  }
0x14c: {  	v60 =	vshrl.u32 v60, $0x3;
	v43 =	vld [tilespmem:s2+$0xFFFFFF80];
	v47 =	vmov s15;
	v56 =	vadd.s32 v4, v40  }
0x14d: {  	v44 =	vld [tilespmem:s2+$0xFFFFFF90];
	v54 =	vshrl.u32 v47, $0x3;
	v5 =	vadd.s32 v23, v0;
	v4 =	vadd.s32 v22, v0;
	[tilespmem:v2+s28+$0x0] =	vst.idx.msk $0xffff, v51  }
0x14e: {  	v61 =	vmul.f32 $8.000000000e+00, v61;
	v47 =	vld [tilespmem:s2+$0xFFFFFFC0];
	v51 =	vshll.u32 v60, v1;
	v60 =	vshll.u32 v54, v1;
	[tilespmem:v48+s28+$0x0] =	vst.idx.msk $0xffff, v52  }
0x14f: {  	v58 =	vmul.f32 $8.000000000e+00, v58;
	v49 =	vld [tilespmem:s2+$0xFFFFFFE0];
	v54 =	vadd.s32 v24, v0;
	v2 =	vbroadcast v60, $0x0;
	[tilespmem:v50+s28+$0x0] =	vst.idx.msk $0xffff, v17  }
0x150: {  	s14 =	simm.s32 $0xE;
	v48 =	vld [tilespmem:s2+$0xFFFFFFD0];
	v41 =	vbroadcast v51, $0x0;
	v52 =	vmul.f32 $8.000000000e+00, v53;
	v60 =	vadd.s32 v25, v0;
	[tilespmem:v3+s28+$0x0] =	vst.idx.msk $0xffff, v61  }
0x151: {  	v51 =	vmov s14;
	v50 =	vld [tilespmem:s2+$0xFFFFFFF0];
	v3 =	vmul.f32 $8.000000000e+00, v55;
	v61 =	vadd.s32 v26, v2;
	[tilespmem:v56+s28+$0x0] =	vst.idx.msk $0xffff, v58  }
0x152: {  	v53 =	vshrl.u32 v51, $0x3;
	v51 =	vld [tilespmem:s2+$0x0];
	v55 =	vmul.f32 $8.000000000e+00, v57;
	[tilespmem:v4+s28+$0x0] =	vst.idx.msk $0xffff, v52  }
0x153: {  	v0 =	vmul.f32 $8.000000000e+00, v59;
	v52 =	vld [tilespmem:s2+$0xFFFFFE20];
	[tilespmem:v5+s28+$0x0] =	vst.idx.msk $0xffff, v3  }
0x154: {  	v4 =	vshll.u32 v53, v1;
	v53 =	vld [tilespmem:s2+$0xFFFFFE30];
	v3 =	vmul.f32 $8.000000000e+00, v19;
	[tilespmem:v54+s28+$0x0] =	vst.idx.msk $0xffff, v55  }
0x155: {  	v54 =	vld [tilespmem:s2+$0xFFFFFE40];
	[tilespmem:v60+s28+$0x0] =	vst.idx.msk $0xffff, v0  }
0x156: {  	v55 =	vld [tilespmem:s2+$0xFFFFFE50];
	[tilespmem:v61+s28+$0x0] =	vst.idx.msk $0xffff, v3  }
0x157: {  	v8 =	vmov v11;
	v11 =	vmov v13;
	v13 =	vld [tilespmem:$0x1FED0]  }
0x158: {  	v9 =	vmov v12;
	v12 =	vmov v21;
	v21 =	vld [tilespmem:$0x1FF10]  }
0x159: {  	v34 =	vmul.f32 $8.000000000e+00, v34;
	v14 =	vld [tilespmem:$0x1FEE0]  }
0x15a: {  	v63 =	vmul.f32 $8.000000000e+00, v63;
	s15 =	simm.s32 $0xF;
	v59 =	vadd.s32 v29, v2;
	v56 =	vadd.s32 v27, v2;
	v18 =	vld [tilespmem:$0x1FF20]  }
0x15b: {  	s12 =	simm.s32 $0x8;
	v7 =	vmovc v16;
	v58 =	vadd.s32 v28, v2;
	v2 =	vmov s15;
	v57 =	vbroadcast v4, $0x0;
	v16 =	vld [tilespmem:$0x1FEF0]  }
0x15c: {  	v62 =	vmul.f32 $8.000000000e+00, v62;
	v42 =	vmov s12;
	v0 =	vshrl.u32 v2, $0x3;
	v17 =	vld [tilespmem:$0x1FF30]  }
0x15d: {  	s13 =	simm.s32 $0x10;
	v60 =	vadd.s32 v30, v57;
	v61 =	vadd.s32 v31, v57;
	v0 =	vshll.u32 v0, v1;
	v19 =	vld [tilespmem:$0x1FF00]  }
.LBB2_7:
0x15e: {  	v6 =	vld [tilespmem:$0x1FFE0];
	_ =	sdelay $0x4  }
0x15f: {  	v5 =	vmul.f32 $8.000000000e+00, v52;
	v52 =	vadd.s32 v6, v57;
	v6 =	vld [tilespmem:$0x1FEA0]  }
0x160: {  	v3 =	vmul.f32 $8.000000000e+00, v43;
	v4 =	vadd.s32 v32, v57;
	[tilespmem:v56+s28+$0x0] =	vst.idx.msk $0xffff, v62  }
0x161: {  	v44 =	vmul.f32 $8.000000000e+00, v44;
	[tilespmem:v58+s28+$0x0] =	vst.idx.msk $0xffff, v63  }
0x162: {  	v0 =	vbroadcast v0, $0x0;
	v45 =	vmul.f32 $8.000000000e+00, v45;
	[tilespmem:v59+s28+$0x0] =	vst.idx.msk $0xffff, v3;
	v3 =	vld [tilespmem:$0x1FE90]  }
0x163: {  	v46 =	vmul.f32 $8.000000000e+00, v46;
	v62 =	vld [tilespmem:s2+$0xFFFFFE70];
	[tilespmem:v60+s28+$0x0] =	vst.idx.msk $0xffff, v44  }
0x164: {  	[tilespmem:v61+s28+$0x0] =	vst.idx.msk $0xffff, v45;
	v63 =	vadd.s32 v6, v0;
	v6 =	vld [tilespmem:$0x1FEB0]  }
0x165: {  	[tilespmem:v4+s28+$0x0] =	vst.idx.msk $0xffff, v46;
	v4 =	vld [tilespmem:$0x1FEC0]  }
0x166: {  	v56 =	vld [tilespmem:s2+$0xFFFFFE80]  }
0x167: {  	v57 =	vld [tilespmem:s2+$0xFFFFFE90];
	v3 =	vadd.s32 v3, v0  }
0x168: {  	v2 =	vld [tilespmem:s2+$0xFFFFFE60]  }
0x169: {  	v47 =	vmul.f32 $8.000000000e+00, v47;
	v43 =	vld [tilespmem:s2+$0xFFFFFEC0];
	v61 =	vadd.s32 v6, v0  }
0x16a: {  	v48 =	vmul.f32 $8.000000000e+00, v48;
	v50 =	vmul.f32 $8.000000000e+00, v50;
	v60 =	vld [tilespmem:s2+$0xFFFFFEA0];
	v0 =	vadd.s32 v4, v0  }
0x16b: {  	v59 =	vld [tilespmem:s2+$0xFFFFFEB0];
	[tilespmem:v52+s28+$0x0] =	vst.idx.msk $0xffff, v47;
	v47 =	vadd.s32 v13, v40;
	v4 =	vmul.f32 $8.000000000e+00, v62;
	v62 =	vmul.f32 $8.000000000e+00, v49  }
0x16c: {  	v52 =	vmul.f32 $8.000000000e+00, v56;
	v56 =	vmul.f32 $8.000000000e+00, v57;
	v57 =	vld [tilespmem:s2+$0xFFFFFF00];
	[tilespmem:v3+s28+$0x0] =	vst.idx.msk $0xffff, v48;
	v3 =	vadd.s32 v21, v40  }
0x16d: {  	v51 =	vmul.f32 $8.000000000e+00, v51;
	v42 =	vshrl.u32 v42, $0x3;
	v48 =	vld [tilespmem:s2+$0xFFFFFEE0];
	v40 =	vadd.s32 v14, v40;
	[tilespmem:v63+s28+$0x0] =	vst.idx.msk $0xffff, v62  }
0x16e: {  	v42 =	vshll.u32 v42, v1;
	v49 =	vld [tilespmem:s2+$0xFFFFFED0];
	[tilespmem:v61+s28+$0x0] =	vst.idx.msk $0xffff, v50;
	v61 =	vadd.s32 v18, v41  }
0x16f: {  	v42 =	vbroadcast v42, $0x0;
	v63 =	vmul.f32 $8.000000000e+00, v60;
	v60 =	vld [tilespmem:s2+$0xFFFFFEF0];
	[tilespmem:v0+s28+$0x0] =	vst.idx.msk $0xffff, v51;
	v0 =	vadd.s32 v16, v41  }
0x170: {  	v43 =	vmul.f32 $8.000000000e+00, v43;
	v51 =	vld [tilespmem:s2+$0xFFFFFE10];
	[tilespmem:v47+s28+$0x0] =	vst.idx.msk $0xffff, v35;
	v47 =	vadd.s32 v17, v41  }
0x171: {  	s14 =	sadd.s32 $0x1, s12;
	v46 =	vadd.s32 v20, v42;
	v45 =	vmul.f32 $8.000000000e+00, v57;
	v6 =	vld [tilespmem:$0x1FFF0];
	s2 =	sadd.s32 $0x200, s2;
	[tilespmem:v3+s28+$0x0] =	vst.idx.msk $0xffff, v37;
	v3 =	vadd.s32 v19, v41  }
0x172: {  	v35 =	vmovc v63;
	v63 =	vmov s14;
	v58 =	vld [tilespmem:s2+$0xFFFFFF10];
	v41 =	vmul.f32 $8.000000000e+00, v48;
	v48 =	vadd.s32 v7, v42;
	[tilespmem:v40+s28+$0x0] =	vst.idx.msk $0xffff, v36  }
0x173: {  	v62 =	vmul.f32 $8.000000000e+00, v59;
	v44 =	vmul.f32 $8.000000000e+00, v49;
	v50 =	vld [tilespmem:s2+$0xFFFFFF20];
	v49 =	vshrl.u32 v63, $0x3;
	v36 =	vmovc v43;
	[tilespmem:v61+s28+$0x0] =	vst.idx.msk $0xffff, v38  }
0x174: {  	v59 =	vld [tilespmem:s2+$0xFFFFFF30];
	v40 =	vmul.f32 $8.000000000e+00, v60;
	v43 =	vshll.u32 v49, v1;
	v49 =	vadd.s32 v8, v42;
	[tilespmem:v0+s28+$0x0] =	vst.idx.msk $0xffff, v39  }
0x175: {  	v60 =	vld [tilespmem:s2+$0xFFFFFF40];
	v57 =	vbroadcast v43, $0x0;
	v43 =	vmul.f32 $8.000000000e+00, v51;
	[tilespmem:v47+s28+$0x0] =	vst.idx.msk $0xffff, v34  }
0x176: {  	v61 =	vld [tilespmem:s2+$0xFFFFFF60];
	[tilespmem:v3+s28+$0x0] =	vst.idx.msk $0xffff, v33  }
0x177: {  	s15 =	sadd.s32 $0x4, s13;
	v53 =	vmul.f32 $8.000000000e+00, v53;
	v54 =	vmul.f32 $8.000000000e+00, v54;
	s14 =	sadd.s32 $0x2, s12;
	v42 =	vadd.s32 v9, v42;
	v0 =	vld [tilespmem:s2+$0xFFFFFF50];
	[tilespmem:v48+s28+$0x0] =	vst.idx.msk $0xffff, v43  }
0x178: {  	v38 =	vmovc v44;
	v44 =	vmov s14;
	v39 =	vmovc v41;
	v51 =	vmov s15;
	v41 =	vadd.s32 v10, v57;
	v47 =	vld [tilespmem:s2+$0xFFFFFFC0];
	[tilespmem:v46+s28+$0x0] =	vst.idx.msk $0xffff, v5  }
0x179: {  	v44 =	vshrl.u32 v44, $0x3;
	v34 =	vmovc v40;
	v40 =	vshrl.u32 v51, $0x3;
	[tilespmem:v49+s28+$0x0] =	vst.idx.msk $0xffff, v53;
	v53 =	vadd.s32 v6, v57;
	v6 =	vld [tilespmem:$0x1FF70]  }
0x17a: {  	v37 =	vmovc v62;
	v44 =	vshll.u32 v44, v1;
	v3 =	vld [tilespmem:s2+$0xFFFFFF70];
	v62 =	vshll.u32 v40, v1;
	v48 =	vadd.s32 v11, v57  }
0x17b: {  	s14 =	sadd.s32 $0x3, s12;
	v40 =	vbroadcast v44, $0x0;
	v44 =	vld [tilespmem:s2+$0xFFFFFF90];
	v51 =	vbroadcast v62, $0x0;
	v5 =	vadd.s32 v12, v57  }
0x17c: {  	v55 =	vmul.f32 $8.000000000e+00, v55;
	v2 =	vmul.f32 $8.000000000e+00, v2;
	s15 =	sadd.s32 $0x5, s13;
	v63 =	vmov s14;
	v33 =	vmovc v45;
	v45 =	vld [tilespmem:s2+$0xFFFFFFA0]  }
0x17d: {  	v43 =	vld [tilespmem:s2+$0xFFFFFF80];
	v62 =	vshrl.u32 v63, $0x3;
	v49 =	vmov s15;
	v57 =	vadd.s32 v22, v51;
	[tilespmem:v42+s28+$0x0] =	vst.idx.msk $0xffff, v54  }
0x17e: {  	v46 =	vld [tilespmem:s2+$0xFFFFFFB0];
	v63 =	vshrl.u32 v49, $0x3;
	[tilespmem:v41+s28+$0x0] =	vst.idx.msk $0xffff, v55;
	v41 =	vshll.u32 v62, v1;
	v54 =	vadd.s32 v6, v40  }
0x17f: {  	v60 =	vmul.f32 $8.000000000e+00, v60;
	v55 =	vadd.s32 v23, v51;
	v49 =	vshll.u32 v63, v1;
	[tilespmem:v48+s28+$0x0] =	vst.idx.msk $0xffff, v2;
	v48 =	vld [tilespmem:s2+$0xFFFFFFD0]  }
0x180: {  	s15 =	sadd.s32 $0x6, s13;
	v2 =	vadd.s32 v24, v51;
	v62 =	vbroadcast v49, $0x0;
	v49 =	vld [tilespmem:s2+$0xFFFFFFE0];
	[tilespmem:v5+s28+$0x0] =	vst.idx.msk $0xffff, v4;
	v4 =	vmul.f32 $8.000000000e+00, v58  }
0x181: {  	v0 =	vmul.f32 $8.000000000e+00, v0;
	v5 =	vadd.s32 v25, v51;
	v58 =	vmov s15;
	v51 =	vld [tilespmem:s2+$0x0];
	[tilespmem:v53+s28+$0x0] =	vst.idx.msk $0xffff, v52  }
0x182: {  	p0 =	slt.u32 s13, $0x1F8;
	v53 =	vmul.f32 $8.000000000e+00, v50;
	v50 =	vld [tilespmem:s2+$0xFFFFFFF0];
	v6 =	vadd.s32 v26, v62;
	v63 =	vshrl.u32 v58, $0x3;
	[tilespmem:v57+s28+$0x0] =	vst.idx.msk $0xffff, v4  }
.Ltmp2:
0x183: {  	v42 =	vmov s13;
	v4 =	vshll.u32 v63, v1;
	[tilespmem:v54+s28+$0x0] =	vst.idx.msk $0xffff, v56;
	v54 =	vmul.f32 $8.000000000e+00, v59;
	(pc) =	sbr.rel @p0 .LBB2_7-.Ltmp2, $4  }
0x184: {  	v41 =	vbroadcast v41, $0x0;
	s15 =	sadd.s32 $0x7, s13;
	v58 =	vadd.s32 v28, v62;
	[tilespmem:v55+s28+$0x0] =	vst.idx.msk $0xffff, v53;
	v57 =	vbroadcast v4, $0x0;
	v52 =	vld [tilespmem:s2+$0xFFFFFE20]  }
0x185: {  	v56 =	vadd.s32 v27, v62;
	v59 =	vadd.s32 v29, v62;
	v53 =	vld [tilespmem:s2+$0xFFFFFE30];
	[tilespmem:v2+s28+$0x0] =	vst.idx.msk $0xffff, v54;
	v2 =	vmov s15  }
0x186: {  	v62 =	vmul.f32 $8.000000000e+00, v61;
	v61 =	vadd.s32 v31, v57;
	v55 =	vld [tilespmem:s2+$0xFFFFFE50];
	[tilespmem:v5+s28+$0x0] =	vst.idx.msk $0xffff, v60;
	v2 =	vshrl.u32 v2, $0x3  }
0x187: {  	s12 =	smov.u32 s13;
	s13 =	sadd.s32 $0x8, s13;
	v63 =	vmul.f32 $8.000000000e+00, v3;
	v54 =	vld [tilespmem:s2+$0xFFFFFE40];
	v60 =	vadd.s32 v30, v57;
	[tilespmem:v6+s28+$0x0] =	vst.idx.msk $0xffff, v0;
	v0 =	vshll.u32 v2, v1  }
0x188: {  	_ =	sdelay $0x3  }
0x189: {  	v2 =	vmul.f32 $8.000000000e+00, v43;
	[tilespmem:v56+s28+$0x0] =	vst.idx.msk $0xffff, v62;
	v3 =	vadd.s32 v32, v57  }
0x18a: {  	v4 =	vmul.f32 $8.000000000e+00, v44;
	[tilespmem:v58+s28+$0x0] =	vst.idx.msk $0xffff, v63  }
0x18b: {  	v6 =	vmul.f32 $8.000000000e+00, v45;
	v5 =	vld [tilespmem:$0x1FFE0];
	[tilespmem:v59+s28+$0x0] =	vst.idx.msk $0xffff, v2  }
0x18c: {  	v31 =	vmov v22;
	v22 =	vmul.f32 $8.000000000e+00, v46;
	v2 =	vld [tilespmem:$0x1FE90];
	[tilespmem:v60+s28+$0x0] =	vst.idx.msk $0xffff, v4  }
0x18d: {  	v4 =	vld [tilespmem:$0x1FEA0];
	[tilespmem:v61+s28+$0x0] =	vst.idx.msk $0xffff, v6  }
0x18e: {  	v0 =	vbroadcast v0, $0x0;
	v6 =	vld [tilespmem:$0x1FEB0];
	[tilespmem:v3+s28+$0x0] =	vst.idx.msk $0xffff, v22  }
0x18f: {  	v56 =	vmovc v32;
	v32 =	vmul.f32 $8.000000000e+00, v48;
	v48 =	vmul.f32 $8.000000000e+00, v49;
	v49 =	vadd.s32 v13, v40;
	v3 =	vld [tilespmem:$0x1FEC0]  }
0x190: {  	v5 =	vadd.s32 v5, v57  }
0x191: {  	v2 =	vadd.s32 v2, v0  }
0x192: {  	v4 =	vadd.s32 v4, v0  }
0x193: {  	v30 =	vmov v23;
	v23 =	vmul.f32 $8.000000000e+00, v47;
	v6 =	vadd.s32 v6, v0  }
0x194: {  	[tilespmem:v49+s28+$0x0] =	vst.idx.msk $0xffff, v35;
	v0 =	vadd.s32 v3, v0  }
0x195: {  	v44 =	vld [tilespmem:s2+$0xFFFFFE70];
	[tilespmem:v5+s28+$0x0] =	vst.idx.msk $0xffff, v23  }
0x196: {  	v50 =	vmul.f32 $8.000000000e+00, v50;
	v45 =	vld [tilespmem:s2+$0xFFFFFE80];
	[tilespmem:v2+s28+$0x0] =	vst.idx.msk $0xffff, v32;
	v2 =	vadd.s32 v21, v40  }
0x197: {  	v51 =	vmul.f32 $8.000000000e+00, v51;
	v42 =	vshrl.u32 v42, $0x3;
	v43 =	vld [tilespmem:s2+$0xFFFFFEA0];
	v57 =	vadd.s32 v14, v40;
	[tilespmem:v4+s28+$0x0] =	vst.idx.msk $0xffff, v48  }
0x198: {  	v58 =	vadd.s32 v18, v41;
	v42 =	vshll.u32 v42, v1;
	v59 =	vld [tilespmem:s2+$0xFFFFFE10];
	[tilespmem:v6+s28+$0x0] =	vst.idx.msk $0xffff, v50  }
0x199: {  	v42 =	vbroadcast v42, $0x0;
	v35 =	vld [tilespmem:s2+$0xFFFFFEB0];
	[tilespmem:v0+s28+$0x0] =	vst.idx.msk $0xffff, v51;
	v0 =	vadd.s32 v16, v41  }
0x19a: {  	v60 =	vadd.s32 v17, v41;
	v3 =	vld [tilespmem:s2+$0xFFFFFE60]  }
0x19b: {  	v62 =	vadd.s32 v7, v42;
	v40 =	vld [tilespmem:s2+$0xFFFFFE90];
	[tilespmem:v2+s28+$0x0] =	vst.idx.msk $0xffff, v37  }
0x19c: {  	v4 =	vld [tilespmem:s2+$0xFFFFFED0];
	v2 =	vadd.s32 v19, v41;
	[tilespmem:v57+s28+$0x0] =	vst.idx.msk $0xffff, v36  }
0x19d: {  	v63 =	vadd.s32 v20, v42;
	v6 =	vld [tilespmem:s2+$0xFFFFFEE0];
	[tilespmem:v58+s28+$0x0] =	vst.idx.msk $0xffff, v38  }
0x19e: {  	v22 =	vmul.f32 $8.000000000e+00, v59;
	v50 =	vmov v8;
	v8 =	vadd.s32 v8, v42;
	v37 =	vld [tilespmem:s2+$0xFFFFFEC0];
	[tilespmem:v0+s28+$0x0] =	vst.idx.msk $0xffff, v39  }
0x19f: {  	s13 =	sadd.s32 $0x1, s12;
	v42 =	vadd.s32 v9, v42;
	v0 =	vld [tilespmem:s2+$0xFFFFFEF0];
	[tilespmem:v60+s28+$0x0] =	vst.idx.msk $0xffff, v34  }
0x1a0: {  	v61 =	vmov s13;
	v57 =	vmul.f32 $8.000000000e+00, v52;
	v34 =	vld [tilespmem:s2+$0xFFFFFF00];
	[tilespmem:v62+s28+$0x0] =	vst.idx.msk $0xffff, v22  }
0x1a1: {  	v47 =	vshrl.u32 v61, $0x3;
	[tilespmem:v2+s28+$0x0] =	vst.idx.msk $0xffff, v33;
	v2 =	vmul.f32 $8.000000000e+00, v53  }
0x1a2: {  	v61 =	vmul.f32 $8.000000000e+00, v54;
	v47 =	vshll.u32 v47, v1;
	[tilespmem:v63+s28+$0x0] =	vst.idx.msk $0xffff, v57  }
0x1a3: {  	v47 =	vbroadcast v47, $0x0;
	[tilespmem:v8+s28+$0x0] =	vst.idx.msk $0xffff, v2  }
0x1a4: {  	s14 =	sadd.s32 $0x2, s12;
	v2 =	vld [tilespmem:$0x1FFF0];
	[tilespmem:v42+s28+$0x0] =	vst.idx.msk $0xffff, v61  }
0x1a5: {  	v59 =	vadd.s32 v11, v47;
	v23 =	vmov s14;
	v53 =	vmov v11;
	v11 =	vld [tilespmem:$0x1FF70]  }
0x1a6: {  	v46 =	vshrl.u32 v23, $0x3;
	v58 =	vadd.s32 v10, v47  }
0x1a7: {  	v60 =	vshll.u32 v46, v1  }
0x1a8: {  	s15 =	sadd.s32 $0x3, s12;
	v51 =	vmov v9;
	v62 =	vadd.s32 v12, v47;
	v63 =	vbroadcast v60, $0x0  }
0x1a9: {  	v9 =	vmul.f32 $8.000000000e+00, v55;
	v52 =	vmovc v10;
	v10 =	vmov s15;
	v54 =	vmovc v2;
	v2 =	vadd.s32 v2, v47  }
0x1aa: {  	v3 =	vmul.f32 $8.000000000e+00, v3;
	v38 =	vshrl.u32 v10, $0x3;
	v22 =	vadd.s32 v11, v63  }
0x1ab: {  	v23 =	vmul.f32 $8.000000000e+00, v44;
	v38 =	vshll.u32 v38, v1;
	v55 =	vadd.s32 v13, v63;
	[tilespmem:v58+s28+$0x0] =	vst.idx.msk $0xffff, v9  }
0x1ac: {  	v57 =	vmul.f32 $8.000000000e+00, v45;
	v58 =	vadd.s32 v21, v63;
	[tilespmem:v59+s28+$0x0] =	vst.idx.msk $0xffff, v3;
	v3 =	vbroadcast v38, $0x0  }
0x1ad: {  	v60 =	vadd.s32 v14, v63;
	v59 =	vmul.f32 $8.000000000e+00, v40;
	[tilespmem:v62+s28+$0x0] =	vst.idx.msk $0xffff, v23  }
0x1ae: {  	v61 =	vmul.f32 $8.000000000e+00, v43;
	[tilespmem:v2+s28+$0x0] =	vst.idx.msk $0xffff, v57;
	v2 =	vadd.s32 v18, v3  }
0x1af: {  	v35 =	vmul.f32 $8.000000000e+00, v35;
	v62 =	vadd.s32 v16, v3;
	[tilespmem:v22+s28+$0x0] =	vst.idx.msk $0xffff, v59  }
0x1b0: {  	v37 =	vmul.f32 $8.000000000e+00, v37;
	v63 =	vadd.s32 v17, v3;
	[tilespmem:v55+s28+$0x0] =	vst.idx.msk $0xffff, v61  }
0x1b1: {  	v4 =	vmul.f32 $8.000000000e+00, v4;
	v3 =	vadd.s32 v19, v3;
	[tilespmem:v58+s28+$0x0] =	vst.idx.msk $0xffff, v35  }
0x1b2: {  	s0 =	sshll.u32 s0, $0x14;
	v6 =	vmul.f32 $8.000000000e+00, v6;
	v0 =	vmul.f32 $8.000000000e+00, v0;
	[tilespmem:v60+s28+$0x0] =	vst.idx.msk $0xffff, v37  }
0x1b3: {  	s0 =	sor.u32 s5, s0;
	[tilespmem:v2+s28+$0x0] =	vst.idx.msk $0xffff, v4  }
0x1b4: {  	s0 =	sshrl.u32 s0, $0x3;
	v2 =	vmul.f32 $8.000000000e+00, v34;
	[tilespmem:v62+s28+$0x0] =	vst.idx.msk $0xffff, v6  }
0x1b5: {  	s12 =	simm.s32 $0x800;
	s0 =	sadd.s32 s6, s0;
	[tilespmem:v63+s28+$0x0] =	vst.idx.msk $0xffff, v0  }
0x1b6: {  	v29 =	vmovc v24;
	s13 =	simm.s32 $0x10610;
	v49 =	vmovc v7;
	s14 =	sadd.s32 $0x0, s0;
	v46 =	vmov v12;
	s2 =	simm.s32 $0x10400;
	v47 =	vmov v11;
	v0 =	vmov v20;
	[tilespmem:v3+s28+$0x0] =	vst.idx.msk $0xffff, v2  }
.LBB2_9:
0x1b7: {  	[hbm4b:s14+s1] =	stream.linear.scatter [tilespmem:s2], [sflag:$0x3], $0x200, $0x38;
	[tilespmem:$0x18800] =	vst v63  }
0x1b8: {  	s14 =	smov.u32 s12;
	s2 =	smov.u32 s13;
	p0 =	sne.s32 s12, $0x1F800  }
.Ltmp3:
0x1b9: {  	s12 =	sadd.s32 $0x800, s12;
	(pc) =	sbr.rel @p0 .LBB2_9-.Ltmp3, $2  }
0x1ba: {  	_ =	sdelay $0x2  }
0x1bb: {  	s13 =	sadd.s32 $0x210, s13;
	s14 =	sadd.s32 s14, s0  }
0x1bc: {  	[hbm4b:s14+s1] =	stream.linear.scatter [tilespmem:s2], [sflag:$0x3], $0x200, $0x38;
	[tilespmem:$0x18800] =	vst v63  }
0x1bd: {  	_ =	swait.ge [sflag:s10], $0x8000  }
0x1be: {  	s31 =	sadd.s32 $0x1, s31;
	v17 =	vld [tilespmem:$0x1FED0]  }
0x1bf: {  	p0 =	sne.s32 s31, $0x64;
	v21 =	vld [tilespmem:$0x1FEE0]  }
.Ltmp4:
0x1c0: {  	v22 =	vmov v25;
	v25 =	vld [tilespmem:$0x1FFC0];
	(pc) =	sbr.rel @p0 .LBB2_2-.Ltmp4, $4  }
0x1c1: {  	v23 =	vld [tilespmem:$0x1FFA0]  }
0x1c2: {  	v3 =	vmov v49;
	v24 =	vmov v26;
	v26 =	vld [tilespmem:$0x1FF80]  }
0x1c3: {  	v4 =	vmovc v50;
	v12 =	vmovc v51;
	v11 =	vmov v52;
	v14 =	vmov v53;
	v32 =	vmov v46;
	[sflag:s10] =	ssyncset.done $0x0;
	v18 =	vld [tilespmem:$0x1FF60]  }
0x1c4: {  	v13 =	vmovc v54;
	v20 =	vmovc v47;
	v6 =	vmov v56;
	v5 =	vmov v15;
	v15 =	vmov v0;
	v16 =	vld [tilespmem:$0x1FF50];
	[sflag:s10] =	ssyncadd.s32 $0xFFFF8000  }
0x1c5: {  	s30 =	sadd.s32 $0x1, s30  }
0x1c6: {  	p0 =	sne.s32 s30, s9  }
.Ltmp5:
0x1c7: {  	_ = 	snop;
	(pc) =	sbr.rel @p0 .LBB2_1-.Ltmp5, $1  }
0x1c8: {  	_ =	sdelay $0x3  }
0x1c9: {  	_ =	sfence.sel $0x180000  }
0x1ca: {  	[bflag:$0x0] =	sbarrier.arrive $0xFFFF  }
0x1cb: {  	_ =	strace $0x90000047  }
0x1cc: {  	s0 =	stileid.u32;
	[bflag:$0x2] =	sbarrier.arrive $0xFFFF  }
0x1cd: {  	p0 =	sne.s32 s0, $0x0;
	s0 =	rddreg [dreg:$0x1]  }
0x1ce: {  	s0 =	sadd.s32 @!p0 $0x100000, s0  }
0x1cf: {  	[sflag:s0] =	ssyncadd.tile.s32 @!p0 $0x1;
	_ =	shalt  }
.Lfunc_end2:
_tile_overlayer_lowered:
.L_overlay_start_2:
0x1d0: {  	(tag) =	ssettag $0x2  }
0x1d1: {  	s0 =	rddreg [dreg:$0x0];
	s2 =	stileid.u32  }
0x1d2: {  	s1 =	rddreg [dreg:$0x1];
	p0 =	sne.s32 s2, $0x0  }
0x1d3: {  	s3 =	rddreg [dreg:$0x2];
	[bflag:$0x3] =	sbarrier.arrive $0xFFFF;
	s2 =	simm.s32 @!p0 $0x1C03  }
0x1d4: {  	[timem:s3], [sflag:s2] =	dma.local @!p0 [hbm:s0], s1  }
0x1d5: {  	s0 =	simm.s32 @!p0 $0x3  }
0x1d6: {  	_ =	swait.ge @!p0 [sflag:s0], s1  }
0x1d7: {  	s1 =	ssub.s32 @!p0 $0x0, s1;
	[sflag:s0] =	ssyncset.done @!p0 $0x0  }
0x1d8: {  	[sflag:s0] =	ssyncadd.s32 @!p0 s1  }
0x1d9: {  	[bflag:$0x3] =	sbarrier.arrive $0xFFFF  }
0x1da: {  	_ =	shalt  }

</sc_bundles>
